<compile_context>
chip_gen: v7x
topology: tpu7x:2x2x1
jax: 0.10.2.dev20260603
libtpu: 0.0.44.dev20260713+nightly
codegen_flags: <defaults>
</compile_context>

<pallas_src>
import functools

import jax
import jax.numpy as jnp
from jax import lax
from jax.experimental import pallas as pl
from jax.experimental.pallas import tpu as pltpu
from jax.experimental.pallas import tpu_sc as plsc

_CLASSES = 80
_CONF = 0.05
_IOU = 0.5
_MAXDET = 100
_PRE = 256
_PBLK = 128


def _nms_block(y1_ref, x1_ref, y2_ref, x2_ref, sc_ref, keep_ref, sup_ref):
    y1 = y1_ref[...]
    x1 = x1_ref[...]
    y2 = y2_ref[...]
    x2 = x2_ref[...]
    sc = sc_ref[...]
    area = (y2 - y1) * (x2 - x1)
    valid = sc > _CONF
    sup_ref[...] = jnp.where(valid, 0.0, 1.0)
    row_id = jax.lax.broadcasted_iota(jnp.int32, (_PRE, _PBLK), 0)
    iota8 = jax.lax.broadcasted_iota(jnp.int32, (8, _PBLK), 0)
    eps = 1.4901161193847656e-08

    def chunk_body(kk, _):
        g0 = kk * 8
        y1c = y1_ref[pl.ds(g0, 8), :]
        x1c = x1_ref[pl.ds(g0, 8), :]
        y2c = y2_ref[pl.ds(g0, 8), :]
        x2c = x2_ref[pl.ds(g0, 8), :]
        area_c = (y2c - y1c) * (x2c - x1c)
        supc = sup_ref[pl.ds(g0, 8), :]
        for i in range(8):
            iy1 = jnp.maximum(y1c[i : i + 1], y1c)
            ix1 = jnp.maximum(x1c[i : i + 1], x1c)
            iy2 = jnp.minimum(y2c[i : i + 1], y2c)
            ix2 = jnp.minimum(x2c[i : i + 1], x2c)
            inter = jnp.maximum(iy2 - iy1, 0.0) * jnp.maximum(ix2 - ix1, 0.0)
            u = jnp.maximum(area_c[i : i + 1] + area_c - inter, 1e-8)
            over = (inter - 0.5 * u) > u * eps
            rowf = jnp.where(over & (iota8 > i), 1.0, 0.0)
            supc = jnp.maximum(supc, rowf * (1.0 - supc[i : i + 1]))
        acc = jnp.zeros((_PRE, _PBLK), jnp.float32)
        for i in range(8):
            iy1 = jnp.maximum(y1c[i : i + 1], y1)
            ix1 = jnp.maximum(x1c[i : i + 1], x1)
            iy2 = jnp.minimum(y2c[i : i + 1], y2)
            ix2 = jnp.minimum(x2c[i : i + 1], x2)
            inter = jnp.maximum(iy2 - iy1, 0.0) * jnp.maximum(ix2 - ix1, 0.0)
            u = jnp.maximum(area_c[i : i + 1] + area - inter, 1e-8)
            over = (inter - 0.5 * u) > u * eps
            acc = jnp.maximum(
                acc, jnp.where(over, 1.0, 0.0) * (1.0 - supc[i : i + 1])
            )
        supall = jnp.maximum(
            sup_ref[...], jnp.where(row_id >= g0 + 8, acc, 0.0)
        )
        sup_ref[...] = supall
        sup_ref[pl.ds(g0, 8), :] = supc
        return 0

    jax.lax.fori_loop(0, _PRE // 8, chunk_body, 0, unroll=False)
    keep_ref[...] = jnp.where(valid & (sup_ref[...] < 0.5), sc, -1.0)


def _run_nms(y1t, x1t, y2t, x2t, sct):
    bp = y1t.shape[1]
    grid = (bp // _PBLK,)
    spec = pl.BlockSpec((_PRE, _PBLK), lambda i: (0, i))
    return pl.pallas_call(
        _nms_block,
        grid=grid,
        in_specs=[spec] * 5,
        out_specs=spec,
        out_shape=jax.ShapeDtypeStruct((_PRE, bp), jnp.float32),
        scratch_shapes=[pltpu.VMEM((_PRE, _PBLK), jnp.float32)],
    )(y1t, x1t, y2t, x2t, sct)


_NW = 32


def _sc_extract(bp, nflat):
    total = _PRE * bp
    slab = total // _NW
    nchunk16 = slab // 16
    mesh = plsc.VectorSubcoreMesh(core_axis_name="c", subcore_axis_name="s")
    fvec = jax.ShapeDtypeStruct((total,), jnp.float32)

    @functools.partial(
        pl.kernel,
        mesh=mesh,
        out_type=[fvec] * 5,
        scratch_types=[
            pltpu.VMEM((slab,), jnp.int32),
            pltpu.VMEM((slab,), jnp.int32),
            pltpu.VMEM((bp,), jnp.int32),
            pltpu.VMEM((slab,), jnp.float32),
            pltpu.VMEM((slab,), jnp.float32),
            pltpu.VMEM((slab,), jnp.float32),
            pltpu.VMEM((slab,), jnp.float32),
            pltpu.VMEM((slab,), jnp.float32),
            pltpu.VMEM((slab,), jnp.float32),
            pltpu.SemaphoreType.DMA,
        ],
    )
    def k(
        gidx1_hbm,
        mask_hbm,
        bofs_hbm,
        sidx_hbm,
        sc_hbm,
        y1_hbm,
        x1_hbm,
        y2_hbm,
        x2_hbm,
        osc,
        oy1,
        ox1,
        oy2,
        ox2,
        gidx1_v,
        src_v,
        bofs_v,
        mask_v,
        sc_v,
        y1_v,
        x1_v,
        y2_v,
        x2_v,
        sem,
    ):
        wid = lax.axis_index("s") * 2 + lax.axis_index("c")
        base = wid * slab
        pltpu.sync_copy(gidx1_hbm.at[pl.ds(base, slab)], gidx1_v)
        pltpu.sync_copy(mask_hbm.at[pl.ds(base, slab)], mask_v)
        pltpu.sync_copy(bofs_hbm.at[pl.ds(0, bp)], bofs_v)
        pltpu.async_copy(sidx_hbm.at[gidx1_v], src_v, sem).wait()
        nlane = bp // 16

        def add_bofs(j, _):
            c = j - (j // nlane) * nlane
            o = j * 16
            src_v[pl.ds(o, 16)] = src_v[pl.ds(o, 16)] + bofs_v[pl.ds(c * 16, 16)]
            return 0

        lax.fori_loop(0, nchunk16, add_bofs, 0, unroll=False)
        for hbm, vv in (
            (sc_hbm, sc_v),
            (y1_hbm, y1_v),
            (x1_hbm, x1_v),
            (y2_hbm, y2_v),
            (x2_hbm, x2_v),
        ):
            pltpu.async_copy(hbm.at[src_v], vv, sem).wait()

        def apply_mask(j, _):
            o = j * 16
            sc_v[pl.ds(o, 16)] = sc_v[pl.ds(o, 16)] * mask_v[pl.ds(o, 16)]
            return 0

        lax.fori_loop(0, nchunk16, apply_mask, 0, unroll=False)
        for out, vv in (
            (osc, sc_v),
            (oy1, y1_v),
            (ox1, x1_v),
            (oy2, y2_v),
            (ox2, x2_v),
        ):
            pltpu.sync_copy(vv, out.at[pl.ds(base, slab)])

    return k


def kernel(predictions):
    B, N, _ = predictions.shape
    x1 = predictions[..., 0]
    y1 = predictions[..., 1]
    x2 = predictions[..., 2]
    y2 = predictions[..., 3]
    cls = predictions[..., 4].astype(jnp.int32)
    score = predictions[..., 5]

    bp = B * _CLASSES
    valid0 = score > _CONF
    cls_key = jnp.where(valid0, cls, 127)
    sbits = jax.lax.bitcast_convert_type(score, jnp.int32)
    neg_sbits = -jnp.where(valid0, sbits, 0)
    idx0 = jnp.broadcast_to(jnp.arange(N, dtype=jnp.int32)[None, :], (B, N))
    s_cls, _, s_idx = jax.lax.sort(
        (cls_key, neg_sbits, idx0), dimension=1, num_keys=3, is_stable=False
    )

    bidx = jnp.broadcast_to(jnp.arange(B, dtype=jnp.int32)[:, None], (B, N))
    cnt = (
        jnp.zeros((B, 128), jnp.int32)
        .at[bidx.reshape(-1), cls_key.reshape(-1)]
        .add(1)
    )[:, :_CLASSES]
    off = jnp.cumsum(cnt, axis=1) - cnt

    r_col = jnp.arange(_PRE, dtype=jnp.int32)[:, None]
    off_f = off.reshape(1, bp)
    cnt_f = cnt.reshape(1, bp)
    slot_ok = r_col < cnt_f
    pos = jnp.where(slot_ok, off_f + r_col, r_col)
    bofs_row = jnp.arange(bp, dtype=jnp.int32) // _CLASSES * N
    gidx1 = (bofs_row[None, :] + pos).reshape(-1)
    tsc_f, ty1_f, tx1_f, ty2_f, tx2_f = _sc_extract(bp, B * N)(
        gidx1,
        slot_ok.astype(jnp.float32).reshape(-1),
        bofs_row,
        s_idx.reshape(-1),
        score.reshape(-1),
        y1.reshape(-1),
        x1.reshape(-1),
        y2.reshape(-1),
        x2.reshape(-1),
    )
    top_scores_t = tsc_f.reshape(_PRE, bp)
    ty1 = ty1_f.reshape(_PRE, bp)
    tx1 = tx1_f.reshape(_PRE, bp)
    ty2 = ty2_f.reshape(_PRE, bp)
    tx2 = tx2_f.reshape(_PRE, bp)

    keep_t = _run_nms(ty1, tx1, ty2, tx2, top_scores_t)
    keep = keep_t.T.reshape(B, _CLASSES * _PRE)

    fin_scores, fin_idx = jax.lax.top_k(keep, _MAXDET)
    fc = fin_idx // _PRE
    fr = fin_idx % _PRE
    tpos = fr * bp + jnp.arange(B, dtype=jnp.int32)[:, None] * _CLASSES + fc
    fin_boxes = jnp.stack(
        [
            jnp.take(tx1.reshape(-1), tpos),
            jnp.take(ty1.reshape(-1), tpos),
            jnp.take(tx2.reshape(-1), tpos),
            jnp.take(ty2.reshape(-1), tpos),
        ],
        axis=-1,
    )
    fin_classes = fc.astype(jnp.float32)
    valid_mask = fin_scores > _CONF
    valid_detections = valid_mask.sum(axis=1).astype(jnp.int32)
    out = jnp.concatenate(
        [
            fin_boxes,
            fin_classes[..., None],
            jnp.maximum(fin_scores, 0.0)[..., None],
        ],
        axis=-1,
    )
    out = jnp.where(valid_mask[..., None], out, 0.0)
    return out, valid_detections

# --- scband reference (transcript-rebuilt; emitter-appended) ---
"""Pipeline reference for scband-non-max-suppression-71846212927714 (READ-ONLY COPY).

The authoritative reference and input builder live on the scoring server;
editing this copy changes nothing except your own understanding.
"""

import jax, jax.numpy as jnp
import numpy as np

CLASSES = 80
CONF_TH = 0.05
IOU_TH = 0.5
MAX_DET = 100
MAX_DET_PC = 100
PRE_NMS = 256


def setup_inputs(seed: int = 0) -> dict:
    key = jax.random.key(seed)
    k1, k2, k3, k4 = jax.random.split(key, 4)
    B, N = 8, 20000
    xy = jax.random.uniform(k1, (B, N, 2), minval=0.0, maxval=600.0)
    wh = jax.random.uniform(k2, (B, N, 2), minval=10.0, maxval=100.0)
    x1y1 = xy
    x2y2 = xy + wh
    cls = jax.random.randint(k3, (B, N), 0, CLASSES).astype(jnp.float32)
    sc = jax.random.uniform(k4, (B, N))
    predictions = jnp.concatenate([x1y1, x2y2, cls[..., None], sc[..., None]], axis=-1)
    return {"predictions": predictions}


def _iou_matrix(boxes):
    # boxes: [P, 4] in yxyx
    y1, x1, y2, x2 = boxes[:, 0], boxes[:, 1], boxes[:, 2], boxes[:, 3]
    area = (y2 - y1) * (x2 - x1)
    iy1 = jnp.maximum(y1[:, None], y1[None, :])
    ix1 = jnp.maximum(x1[:, None], x1[None, :])
    iy2 = jnp.minimum(y2[:, None], y2[None, :])
    ix2 = jnp.minimum(x2[:, None], x2[None, :])
    inter = jnp.maximum(iy2 - iy1, 0.0) * jnp.maximum(ix2 - ix1, 0.0)
    union = area[:, None] + area[None, :] - inter
    return inter / jnp.maximum(union, 1e-8)


def _nms_one(boxes, scores):
    # boxes: [P, 4] yxyx sorted by score desc; scores: [P]
    P = boxes.shape[0]
    iou = jax.lax.stop_gradient(_iou_matrix(boxes))
    valid = scores > CONF_TH
    idxs = jnp.arange(P)
    def body(i, sup):
        row = (iou[i] > IOU_TH) & (idxs > i)
        return jnp.where(sup[i], sup, sup | row)
    sup = jax.lax.fori_loop(0, P, body, ~valid)
    keep_scores = jnp.where((~sup) & valid, scores, -1.0)
    sel_scores, sel_idx = jax.lax.top_k(keep_scores, MAX_DET_PC)
    sel_boxes = boxes[sel_idx]
    return sel_boxes, sel_scores


def _forward(predictions):
    B, N, _ = predictions.shape
    # xyxy -> yxyx (the layer converts source format to yxyx internally)
    x1, y1, x2, y2 = (predictions[..., 0], predictions[..., 1], predictions[..., 2], predictions[..., 3])
    boxes_yxyx = jnp.stack([y1, x1, y2, x2], axis=-1)
    cls = predictions[..., 4].astype(jnp.int32)
    score = predictions[..., 5]
    onehot = jax.nn.one_hot(cls, CLASSES, dtype=predictions.dtype)  # [B, N, C]
    cls_scores = jnp.transpose(score[..., None] * onehot, (0, 2, 1))  # [B, C, N]
    # per-class pre-NMS candidate selection (combined_non_max_suppression semantics)
    top_scores, top_idx = jax.lax.top_k(cls_scores, PRE_NMS)  # [B, C, P]
    top_boxes = jax.vmap(lambda bx, ix: bx[ix])(boxes_yxyx, top_idx)  # [B, C, P, 4]
    flat_boxes = top_boxes.reshape(B * CLASSES, PRE_NMS, 4)
    flat_scores = top_scores.reshape(B * CLASSES, PRE_NMS)
    sel_boxes, sel_scores = jax.lax.map(lambda t: _nms_one(t[0], t[1]), (flat_boxes, flat_scores))
    sel_boxes = sel_boxes.reshape(B, CLASSES * MAX_DET_PC, 4)
    sel_scores = sel_scores.reshape(B, CLASSES * MAX_DET_PC)
    sel_classes = jnp.tile(jnp.repeat(jnp.arange(CLASSES), MAX_DET_PC)[None, :], (B, 1)).astype(jnp.float32)
    fin_scores, fin_idx = jax.lax.top_k(sel_scores, MAX_DET)  # [B, MAX_DET]
    fin_boxes = jnp.take_along_axis(sel_boxes, fin_idx[..., None], axis=1)
    fin_classes = jnp.take_along_axis(sel_classes, fin_idx, axis=1)
    valid_mask = fin_scores > CONF_TH
    valid_detections = valid_mask.sum(axis=1).astype(jnp.int32)
    # yxyx -> xyxy (layer converts back to its bounding_box_format)
    out_xyxy = jnp.stack([fin_boxes[..., 1], fin_boxes[..., 0], fin_boxes[..., 3], fin_boxes[..., 2]], axis=-1)
    out = jnp.concatenate([out_xyxy, fin_classes[..., None], jnp.maximum(fin_scores, 0.0)[..., None]], axis=-1)
    out = jnp.where(valid_mask[..., None], out, 0.0)
    return out, valid_detections


def reference(predictions):
    # Returns dense-padded equivalent of the ragged output: [B, MAX_DET, 6]
    # rows are (x1, y1, x2, y2, class, score), plus valid_detections per image.
    out, valid_detections = _forward(predictions)
    return out, valid_detections

if __name__ == "__main__":
    import jax
    _d = setup_inputs()
    print(jax.jit(kernel)(*tuple(_d.values())))

</pallas_src>

<mosaic_0001>
#map = affine_map<(d0, d1) -> (0)>
module attributes {stable_mosaic.version = 14 : i64} {
  func.func @k(%arg0: i32, %arg1: i32, %arg2: memref<163840xi32, #tpu.memory_space<hbm>>, %arg3: memref<163840xf32, #tpu.memory_space<hbm>>, %arg4: memref<640xi32, #tpu.memory_space<hbm>>, %arg5: memref<160000xi32, #tpu.memory_space<hbm>>, %arg6: memref<160000xf32, #tpu.memory_space<hbm>>, %arg7: memref<160000xf32, #tpu.memory_space<hbm>>, %arg8: memref<160000xf32, #tpu.memory_space<hbm>>, %arg9: memref<160000xf32, #tpu.memory_space<hbm>>, %arg10: memref<160000xf32, #tpu.memory_space<hbm>>, %arg11: memref<163840xf32, #tpu.memory_space<hbm>>, %arg12: memref<163840xf32, #tpu.memory_space<hbm>>, %arg13: memref<163840xf32, #tpu.memory_space<hbm>>, %arg14: memref<163840xf32, #tpu.memory_space<hbm>>, %arg15: memref<163840xf32, #tpu.memory_space<hbm>>, %arg16: memref<5120xi32, #tpu.memory_space<vmem>>, %arg17: memref<5120xi32, #tpu.memory_space<vmem>>, %arg18: memref<640xi32, #tpu.memory_space<vmem>>, %arg19: memref<5120xf32, #tpu.memory_space<vmem>>, %arg20: memref<5120xf32, #tpu.memory_space<vmem>>, %arg21: memref<5120xf32, #tpu.memory_space<vmem>>, %arg22: memref<5120xf32, #tpu.memory_space<vmem>>, %arg23: memref<5120xf32, #tpu.memory_space<vmem>>, %arg24: memref<5120xf32, #tpu.memory_space<vmem>>, %arg25: memref<!tpu.dma_semaphore, #tpu.memory_space<semaphore_mem>>) attributes {dimension_semantics = [#tpu.dimension_semantics<core_parallel>, #tpu.dimension_semantics<subcore_parallel>], iteration_bounds = array<i64: 2, 16>, scalar_prefetch = 0 : i64, scratch_operands = 10 : i64, tpu.core_type = #tpu.core_type<sc_vector_subcore>, window_params = [{transform_indices = #map}, {transform_indices = #map}, {transform_indices = #map}, {transform_indices = #map}, {transform_indices = #map}, {transform_indices = #map}, {transform_indices = #map}, {transform_indices = #map}, {transform_indices = #map}, {transform_indices = #map}, {transform_indices = #map}, {transform_indices = #map}, {transform_indices = #map}, {transform_indices = #map}]} {
    %mul3A = arith.constant 2 : i32
    %mul3A_0 = arith.muli %arg1, %mul3A : i32
    %add3A = arith.addi %mul3A_0, %arg0 : i32
    %mul3A_1 = arith.constant 5120 : i32
    %mul3A_2 = arith.muli %add3A, %mul3A_1 : i32
    "tpu.region"() ({
      %run_scoped3A = tpu.sem_alloc : memref<!tpu.dma_semaphore, #tpu.memory_space<semaphore_mem>>
      %dma_start3A_38 = tpu.memref_slice %arg2[%mul3A_2] : memref<163840xi32, #tpu.memory_space<hbm>> -> memref<5120xi32, #tpu.memory_space<hbm>>
      %dma_start3A_39 = tpu.memref_slice %arg2[%mul3A_2] : memref<163840xi32, #tpu.memory_space<hbm>> -> memref<5120xi32, #tpu.memory_space<hbm>>
      tpu.enqueue_dma source(%dma_start3A_39 : memref<5120xi32, #tpu.memory_space<hbm>>) target(%arg16 : memref<5120xi32, #tpu.memory_space<vmem>>) target_semaphore(%run_scoped3A : memref<!tpu.dma_semaphore, #tpu.memory_space<semaphore_mem>>)
      %dma_wait3A_40 = tpu.memref_slice %arg2[%mul3A_2] : memref<163840xi32, #tpu.memory_space<hbm>> -> memref<5120xi32, #tpu.memory_space<hbm>>
      %dma_wait3A_41 = tpu.memref_slice %arg2[%mul3A_2] : memref<163840xi32, #tpu.memory_space<hbm>> -> memref<5120xi32, #tpu.memory_space<hbm>>
      tpu.wait_dma2 semaphore(%run_scoped3A : memref<!tpu.dma_semaphore, #tpu.memory_space<semaphore_mem>>) src(%dma_wait3A_41 : memref<5120xi32, #tpu.memory_space<hbm>>) dst(%arg16 : memref<5120xi32, #tpu.memory_space<vmem>>)
      tpu.yield
    }) : () -> ()
    "tpu.region"() ({
      %run_scoped3A = tpu.sem_alloc : memref<!tpu.dma_semaphore, #tpu.memory_space<semaphore_mem>>
      %dma_start3A_38 = tpu.memref_slice %arg3[%mul3A_2] : memref<163840xf32, #tpu.memory_space<hbm>> -> memref<5120xf32, #tpu.memory_space<hbm>>
      %dma_start3A_39 = tpu.memref_slice %arg3[%mul3A_2] : memref<163840xf32, #tpu.memory_space<hbm>> -> memref<5120xf32, #tpu.memory_space<hbm>>
      tpu.enqueue_dma source(%dma_start3A_39 : memref<5120xf32, #tpu.memory_space<hbm>>) target(%arg19 : memref<5120xf32, #tpu.memory_space<vmem>>) target_semaphore(%run_scoped3A : memref<!tpu.dma_semaphore, #tpu.memory_space<semaphore_mem>>)
      %dma_wait3A_40 = tpu.memref_slice %arg3[%mul3A_2] : memref<163840xf32, #tpu.memory_space<hbm>> -> memref<5120xf32, #tpu.memory_space<hbm>>
      %dma_wait3A_41 = tpu.memref_slice %arg3[%mul3A_2] : memref<163840xf32, #tpu.memory_space<hbm>> -> memref<5120xf32, #tpu.memory_space<hbm>>
      tpu.wait_dma2 semaphore(%run_scoped3A : memref<!tpu.dma_semaphore, #tpu.memory_space<semaphore_mem>>) src(%dma_wait3A_41 : memref<5120xf32, #tpu.memory_space<hbm>>) dst(%arg19 : memref<5120xf32, #tpu.memory_space<vmem>>)
      tpu.yield
    }) : () -> ()
    "tpu.region"() ({
      %run_scoped3A = tpu.sem_alloc : memref<!tpu.dma_semaphore, #tpu.memory_space<semaphore_mem>>
      %dma_start3A_38 = arith.constant 0 : i32
      %dma_start3A_39 = tpu.memref_slice %arg4[%dma_start3A_38] : memref<640xi32, #tpu.memory_space<hbm>> -> memref<640xi32, #tpu.memory_space<hbm>>
      %dma_start3A_40 = arith.constant 0 : i32
      %dma_start3A_41 = tpu.memref_slice %arg4[%dma_start3A_40] : memref<640xi32, #tpu.memory_space<hbm>> -> memref<640xi32, #tpu.memory_space<hbm>>
      tpu.enqueue_dma source(%dma_start3A_41 : memref<640xi32, #tpu.memory_space<hbm>>) target(%arg18 : memref<640xi32, #tpu.memory_space<vmem>>) target_semaphore(%run_scoped3A : memref<!tpu.dma_semaphore, #tpu.memory_space<semaphore_mem>>)
      %dma_wait3A_42 = arith.constant 0 : i32
      %dma_wait3A_43 = tpu.memref_slice %arg4[%dma_wait3A_42] : memref<640xi32, #tpu.memory_space<hbm>> -> memref<640xi32, #tpu.memory_space<hbm>>
      %dma_wait3A_44 = arith.constant 0 : i32
      %dma_wait3A_45 = tpu.memref_slice %arg4[%dma_wait3A_44] : memref<640xi32, #tpu.memory_space<hbm>> -> memref<640xi32, #tpu.memory_space<hbm>>
      tpu.wait_dma2 semaphore(%run_scoped3A : memref<!tpu.dma_semaphore, #tpu.memory_space<semaphore_mem>>) src(%dma_wait3A_45 : memref<640xi32, #tpu.memory_space<hbm>>) dst(%arg18 : memref<640xi32, #tpu.memory_space<vmem>>)
      tpu.yield
    }) : () -> ()
    %dma_start3A = arith.constant 0 : i32
    %dma_start3A_3 = tpu.memref_slice %arg5[%dma_start3A] : memref<160000xi32, #tpu.memory_space<hbm>> -> memref<160000xi32, #tpu.memory_space<hbm>>
    tpu.enqueue_indirect_dma source(%dma_start3A_3 : memref<160000xi32, #tpu.memory_space<hbm>>) target(%arg17 : memref<5120xi32, #tpu.memory_space<vmem>>) offsets(%arg16 : memref<5120xi32, #tpu.memory_space<vmem>>) semaphore(%arg25 : memref<!tpu.dma_semaphore, #tpu.memory_space<semaphore_mem>>)
    %dma_wait3A = arith.constant 0 : i32
    %dma_wait3A_4 = tpu.memref_slice %arg5[%dma_wait3A] : memref<160000xi32, #tpu.memory_space<hbm>> -> memref<160000xi32, #tpu.memory_space<hbm>>
    tpu.wait_indirect_dma semaphore(%arg25 : memref<!tpu.dma_semaphore, #tpu.memory_space<semaphore_mem>>) src(%dma_wait3A_4 : memref<160000xi32, #tpu.memory_space<hbm>>) dst(%arg17 : memref<5120xi32, #tpu.memory_space<vmem>>)
    %scan3A = arith.constant 0 : i32
    %scan3A_5 = arith.constant 0 : i32
    %scan3A_6 = arith.constant 320 : i32
    %scan3A_7 = arith.addi %scan3A_5, %scan3A_6 : i32
    %scan3A_8 = arith.constant 1 : i32
    %scan3A_9 = scf.for %scan3A_38 = %scan3A_5 to %scan3A_7 step %scan3A_8 iter_args(%scan3A_39 = %scan3A) -> (i32)  : i32 {
      %jit3A = arith.constant 40 : i32
      %div3A = arith.divsi %scan3A_38, %jit3A : i32
      %sign3A = arith.constant 0 : i32
      %sign3A_40 = arith.cmpi sgt, %scan3A_38, %sign3A : i32
      %sign3A_41 = arith.extui %sign3A_40 : i1 to i32
      %sign3A_42 = arith.constant 0 : i32
      %sign3A_43 = arith.cmpi slt, %scan3A_38, %sign3A_42 : i32
      %sign3A_44 = arith.extui %sign3A_43 : i1 to i32
      %sign3A_45 = arith.subi %sign3A_41, %sign3A_44 : i32
      %sign3A_46 = arith.constant 0 : i32
      %sign3A_47 = arith.cmpi sgt, %jit3A, %sign3A_46 : i32
      %sign3A_48 = arith.extui %sign3A_47 : i1 to i32
      %sign3A_49 = arith.constant 0 : i32
      %sign3A_50 = arith.cmpi slt, %jit3A, %sign3A_49 : i32
      %sign3A_51 = arith.extui %sign3A_50 : i1 to i32
      %sign3A_52 = arith.subi %sign3A_48, %sign3A_51 : i32
      %ne3A = arith.cmpi ne, %sign3A_45, %sign3A_52 : i32
      %rem3A = arith.remsi %scan3A_38, %jit3A : i32
      %ne3A_53 = arith.constant 0 : i32
      %ne3A_54 = arith.cmpi ne, %rem3A, %ne3A_53 : i32
      %and3A = arith.andi %ne3A, %ne3A_54 : i1
      %sub3A = arith.constant 1 : i32
      %sub3A_55 = arith.subi %div3A, %sub3A : i32
      %select_n3A = arith.select %and3A, %sub3A_55, %div3A : i32
      %mul3A_56 = arith.constant 40 : i32
      %mul3A_57 = arith.muli %select_n3A, %mul3A_56 : i32
      %sub3A_58 = arith.subi %scan3A_38, %mul3A_57 : i32
      %mul3A_59 = arith.constant 16 : i32
      %mul3A_60 = arith.muli %scan3A_38, %mul3A_59 : i32
      %get3A = arith.index_cast %mul3A_60 : i32 to index
      %get3A_61 = tpu.vector_load %arg17[%get3A] {strides = array<i32>} : memref<5120xi32, #tpu.memory_space<vmem>>, vector<16xi32>,
      %get3A_62 = vector.shape_cast %get3A_61 : vector<16xi32> to vector<16xi32>
      %mul3A_63 = arith.constant 16 : i32
      %mul3A_64 = arith.muli %sub3A_58, %mul3A_63 : i32
      %get3A_65 = arith.index_cast %mul3A_64 : i32 to index
      %get3A_66 = tpu.vector_load %arg18[%get3A_65] {strides = array<i32>} : memref<640xi32, #tpu.memory_space<vmem>>, vector<16xi32>,
      %get3A_67 = vector.shape_cast %get3A_66 : vector<16xi32> to vector<16xi32>
      %add3A_68 = arith.addi %get3A_62, %get3A_67 : vector<16xi32>
      %swap3A = arith.index_cast %mul3A_60 : i32 to index
      %swap3A_69 = tpu.vector_load %arg17[%swap3A] {strides = array<i32>} : memref<5120xi32, #tpu.memory_space<vmem>>, vector<16xi32>,
      %swap3A_70 = vector.shape_cast %swap3A_69 : vector<16xi32> to vector<16xi32>
      %swap3A_71 = vector.shape_cast %add3A_68 : vector<16xi32> to vector<16xi32>
      tpu.vector_store %arg17[%swap3A], %swap3A_71 {strides = array<i32>} : memref<5120xi32, #tpu.memory_space<vmem>>, vector<16xi32>,
      %scan3A_72 = arith.constant 0 : i32
      scf.yield %scan3A_72 : i32
    }
    %scan3A_10 = arith.constant 320 : i32
    %dma_start3A_11 = arith.constant 0 : i32
    %dma_start3A_12 = tpu.memref_slice %arg6[%dma_start3A_11] : memref<160000xf32, #tpu.memory_space<hbm>> -> memref<160000xf32, #tpu.memory_space<hbm>>
    tpu.enqueue_indirect_dma source(%dma_start3A_12 : memref<160000xf32, #tpu.memory_space<hbm>>) target(%arg20 : memref<5120xf32, #tpu.memory_space<vmem>>) offsets(%arg17 : memref<5120xi32, #tpu.memory_space<vmem>>) semaphore(%arg25 : memref<!tpu.dma_semaphore, #tpu.memory_space<semaphore_mem>>)
    %dma_wait3A_13 = arith.constant 0 : i32
    %dma_wait3A_14 = tpu.memref_slice %arg6[%dma_wait3A_13] : memref<160000xf32, #tpu.memory_space<hbm>> -> memref<160000xf32, #tpu.memory_space<hbm>>
    tpu.wait_indirect_dma semaphore(%arg25 : memref<!tpu.dma_semaphore, #tpu.memory_space<semaphore_mem>>) src(%dma_wait3A_14 : memref<160000xf32, #tpu.memory_space<hbm>>) dst(%arg20 : memref<5120xf32, #tpu.memory_space<vmem>>)
    %dma_start3A_15 = arith.constant 0 : i32
    %dma_start3A_16 = tpu.memref_slice %arg7[%dma_start3A_15] : memref<160000xf32, #tpu.memory_space<hbm>> -> memref<160000xf32, #tpu.memory_space<hbm>>
    tpu.enqueue_indirect_dma source(%dma_start3A_16 : memref<160000xf32, #tpu.memory_space<hbm>>) target(%arg21 : memref<5120xf32, #tpu.memory_space<vmem>>) offsets(%arg17 : memref<5120xi32, #tpu.memory_space<vmem>>) semaphore(%arg25 : memref<!tpu.dma_semaphore, #tpu.memory_space<semaphore_mem>>)
    %dma_wait3A_17 = arith.constant 0 : i32
    %dma_wait3A_18 = tpu.memref_slice %arg7[%dma_wait3A_17] : memref<160000xf32, #tpu.memory_space<hbm>> -> memref<160000xf32, #tpu.memory_space<hbm>>
    tpu.wait_indirect_dma semaphore(%arg25 : memref<!tpu.dma_semaphore, #tpu.memory_space<semaphore_mem>>) src(%dma_wait3A_18 : memref<160000xf32, #tpu.memory_space<hbm>>) dst(%arg21 : memref<5120xf32, #tpu.memory_space<vmem>>)
    %dma_start3A_19 = arith.constant 0 : i32
    %dma_start3A_20 = tpu.memref_slice %arg8[%dma_start3A_19] : memref<160000xf32, #tpu.memory_space<hbm>> -> memref<160000xf32, #tpu.memory_space<hbm>>
    tpu.enqueue_indirect_dma source(%dma_start3A_20 : memref<160000xf32, #tpu.memory_space<hbm>>) target(%arg22 : memref<5120xf32, #tpu.memory_space<vmem>>) offsets(%arg17 : memref<5120xi32, #tpu.memory_space<vmem>>) semaphore(%arg25 : memref<!tpu.dma_semaphore, #tpu.memory_space<semaphore_mem>>)
    %dma_wait3A_21 = arith.constant 0 : i32
    %dma_wait3A_22 = tpu.memref_slice %arg8[%dma_wait3A_21] : memref<160000xf32, #tpu.memory_space<hbm>> -> memref<160000xf32, #tpu.memory_space<hbm>>
    tpu.wait_indirect_dma semaphore(%arg25 : memref<!tpu.dma_semaphore, #tpu.memory_space<semaphore_mem>>) src(%dma_wait3A_22 : memref<160000xf32, #tpu.memory_space<hbm>>) dst(%arg22 : memref<5120xf32, #tpu.memory_space<vmem>>)
    %dma_start3A_23 = arith.constant 0 : i32
    %dma_start3A_24 = tpu.memref_slice %arg9[%dma_start3A_23] : memref<160000xf32, #tpu.memory_space<hbm>> -> memref<160000xf32, #tpu.memory_space<hbm>>
    tpu.enqueue_indirect_dma source(%dma_start3A_24 : memref<160000xf32, #tpu.memory_space<hbm>>) target(%arg23 : memref<5120xf32, #tpu.memory_space<vmem>>) offsets(%arg17 : memref<5120xi32, #tpu.memory_space<vmem>>) semaphore(%arg25 : memref<!tpu.dma_semaphore, #tpu.memory_space<semaphore_mem>>)
    %dma_wait3A_25 = arith.constant 0 : i32
    %dma_wait3A_26 = tpu.memref_slice %arg9[%dma_wait3A_25] : memref<160000xf32, #tpu.memory_space<hbm>> -> memref<160000xf32, #tpu.memory_space<hbm>>
    tpu.wait_indirect_dma semaphore(%arg25 : memref<!tpu.dma_semaphore, #tpu.memory_space<semaphore_mem>>) src(%dma_wait3A_26 : memref<160000xf32, #tpu.memory_space<hbm>>) dst(%arg23 : memref<5120xf32, #tpu.memory_space<vmem>>)
    %dma_start3A_27 = arith.constant 0 : i32
    %dma_start3A_28 = tpu.memref_slice %arg10[%dma_start3A_27] : memref<160000xf32, #tpu.memory_space<hbm>> -> memref<160000xf32, #tpu.memory_space<hbm>>
    tpu.enqueue_indirect_dma source(%dma_start3A_28 : memref<160000xf32, #tpu.memory_space<hbm>>) target(%arg24 : memref<5120xf32, #tpu.memory_space<vmem>>) offsets(%arg17 : memref<5120xi32, #tpu.memory_space<vmem>>) semaphore(%arg25 : memref<!tpu.dma_semaphore, #tpu.memory_space<semaphore_mem>>)
    %dma_wait3A_29 = arith.constant 0 : i32
    %dma_wait3A_30 = tpu.memref_slice %arg10[%dma_wait3A_29] : memref<160000xf32, #tpu.memory_space<hbm>> -> memref<160000xf32, #tpu.memory_space<hbm>>
    tpu.wait_indirect_dma semaphore(%arg25 : memref<!tpu.dma_semaphore, #tpu.memory_space<semaphore_mem>>) src(%dma_wait3A_30 : memref<160000xf32, #tpu.memory_space<hbm>>) dst(%arg24 : memref<5120xf32, #tpu.memory_space<vmem>>)
    %scan3A_31 = arith.constant 0 : i32
    %scan3A_32 = arith.constant 0 : i32
    %scan3A_33 = arith.constant 320 : i32
    %scan3A_34 = arith.addi %scan3A_32, %scan3A_33 : i32
    %scan3A_35 = arith.constant 1 : i32
    %scan3A_36 = scf.for %scan3A_38 = %scan3A_32 to %scan3A_34 step %scan3A_35 iter_args(%scan3A_39 = %scan3A_31) -> (i32)  : i32 {
      %mul3A_40 = arith.constant 16 : i32
      %mul3A_41 = arith.muli %scan3A_38, %mul3A_40 : i32
      %get3A = arith.index_cast %mul3A_41 : i32 to index
      %get3A_42 = tpu.vector_load %arg20[%get3A] {strides = array<i32>} : memref<5120xf32, #tpu.memory_space<vmem>>, vector<16xf32>,
      %get3A_43 = vector.shape_cast %get3A_42 : vector<16xf32> to vector<16xf32>
      %get3A_44 = arith.index_cast %mul3A_41 : i32 to index
      %get3A_45 = tpu.vector_load %arg19[%get3A_44] {strides = array<i32>} : memref<5120xf32, #tpu.memory_space<vmem>>, vector<16xf32>,
      %get3A_46 = vector.shape_cast %get3A_45 : vector<16xf32> to vector<16xf32>
      %mul3A_47 = arith.mulf %get3A_43, %get3A_46 : vector<16xf32>
      %swap3A = arith.index_cast %mul3A_41 : i32 to index
      %swap3A_48 = tpu.vector_load %arg20[%swap3A] {strides = array<i32>} : memref<5120xf32, #tpu.memory_space<vmem>>, vector<16xf32>,
      %swap3A_49 = vector.shape_cast %swap3A_48 : vector<16xf32> to vector<16xf32>
      %swap3A_50 = vector.shape_cast %mul3A_47 : vector<16xf32> to vector<16xf32>
      tpu.vector_store %arg20[%swap3A], %swap3A_50 {strides = array<i32>} : memref<5120xf32, #tpu.memory_space<vmem>>, vector<16xf32>,
      %scan3A_51 = arith.constant 0 : i32
      scf.yield %scan3A_51 : i32
    }
    %scan3A_37 = arith.constant 320 : i32
    "tpu.region"() ({
      %run_scoped3A = tpu.sem_alloc : memref<!tpu.dma_semaphore, #tpu.memory_space<semaphore_mem>>
      %dma_start3A_38 = tpu.memref_slice %arg11[%mul3A_2] : memref<163840xf32, #tpu.memory_space<hbm>> -> memref<5120xf32, #tpu.memory_space<hbm>>
      %dma_start3A_39 = tpu.memref_slice %arg11[%mul3A_2] : memref<163840xf32, #tpu.memory_space<hbm>> -> memref<5120xf32, #tpu.memory_space<hbm>>
      tpu.enqueue_dma source(%arg20 : memref<5120xf32, #tpu.memory_space<vmem>>) target(%dma_start3A_39 : memref<5120xf32, #tpu.memory_space<hbm>>) target_semaphore(%run_scoped3A : memref<!tpu.dma_semaphore, #tpu.memory_space<semaphore_mem>>)
      %dma_wait3A_40 = tpu.memref_slice %arg11[%mul3A_2] : memref<163840xf32, #tpu.memory_space<hbm>> -> memref<5120xf32, #tpu.memory_space<hbm>>
      %dma_wait3A_41 = tpu.memref_slice %arg11[%mul3A_2] : memref<163840xf32, #tpu.memory_space<hbm>> -> memref<5120xf32, #tpu.memory_space<hbm>>
      tpu.wait_dma2 semaphore(%run_scoped3A : memref<!tpu.dma_semaphore, #tpu.memory_space<semaphore_mem>>) src(%arg20 : memref<5120xf32, #tpu.memory_space<vmem>>) dst(%dma_wait3A_41 : memref<5120xf32, #tpu.memory_space<hbm>>)
      tpu.yield
    }) : () -> ()
    "tpu.region"() ({
      %run_scoped3A = tpu.sem_alloc : memref<!tpu.dma_semaphore, #tpu.memory_space<semaphore_mem>>
      %dma_start3A_38 = tpu.memref_slice %arg12[%mul3A_2] : memref<163840xf32, #tpu.memory_space<hbm>> -> memref<5120xf32, #tpu.memory_space<hbm>>
      %dma_start3A_39 = tpu.memref_slice %arg12[%mul3A_2] : memref<163840xf32, #tpu.memory_space<hbm>> -> memref<5120xf32, #tpu.memory_space<hbm>>
      tpu.enqueue_dma source(%arg21 : memref<5120xf32, #tpu.memory_space<vmem>>) target(%dma_start3A_39 : memref<5120xf32, #tpu.memory_space<hbm>>) target_semaphore(%run_scoped3A : memref<!tpu.dma_semaphore, #tpu.memory_space<semaphore_mem>>)
      %dma_wait3A_40 = tpu.memref_slice %arg12[%mul3A_2] : memref<163840xf32, #tpu.memory_space<hbm>> -> memref<5120xf32, #tpu.memory_space<hbm>>
      %dma_wait3A_41 = tpu.memref_slice %arg12[%mul3A_2] : memref<163840xf32, #tpu.memory_space<hbm>> -> memref<5120xf32, #tpu.memory_space<hbm>>
      tpu.wait_dma2 semaphore(%run_scoped3A : memref<!tpu.dma_semaphore, #tpu.memory_space<semaphore_mem>>) src(%arg21 : memref<5120xf32, #tpu.memory_space<vmem>>) dst(%dma_wait3A_41 : memref<5120xf32, #tpu.memory_space<hbm>>)
      tpu.yield
    }) : () -> ()
    "tpu.region"() ({
      %run_scoped3A = tpu.sem_alloc : memref<!tpu.dma_semaphore, #tpu.memory_space<semaphore_mem>>
      %dma_start3A_38 = tpu.memref_slice %arg13[%mul3A_2] : memref<163840xf32, #tpu.memory_space<hbm>> -> memref<5120xf32, #tpu.memory_space<hbm>>
      %dma_start3A_39 = tpu.memref_slice %arg13[%mul3A_2] : memref<163840xf32, #tpu.memory_space<hbm>> -> memref<5120xf32, #tpu.memory_space<hbm>>
      tpu.enqueue_dma source(%arg22 : memref<5120xf32, #tpu.memory_space<vmem>>) target(%dma_start3A_39 : memref<5120xf32, #tpu.memory_space<hbm>>) target_semaphore(%run_scoped3A : memref<!tpu.dma_semaphore, #tpu.memory_space<semaphore_mem>>)
      %dma_wait3A_40 = tpu.memref_slice %arg13[%mul3A_2] : memref<163840xf32, #tpu.memory_space<hbm>> -> memref<5120xf32, #tpu.memory_space<hbm>>
      %dma_wait3A_41 = tpu.memref_slice %arg13[%mul3A_2] : memref<163840xf32, #tpu.memory_space<hbm>> -> memref<5120xf32, #tpu.memory_space<hbm>>
      tpu.wait_dma2 semaphore(%run_scoped3A : memref<!tpu.dma_semaphore, #tpu.memory_space<semaphore_mem>>) src(%arg22 : memref<5120xf32, #tpu.memory_space<vmem>>) dst(%dma_wait3A_41 : memref<5120xf32, #tpu.memory_space<hbm>>)
      tpu.yield
    }) : () -> ()
    "tpu.region"() ({
      %run_scoped3A = tpu.sem_alloc : memref<!tpu.dma_semaphore, #tpu.memory_space<semaphore_mem>>
      %dma_start3A_38 = tpu.memref_slice %arg14[%mul3A_2] : memref<163840xf32, #tpu.memory_space<hbm>> -> memref<5120xf32, #tpu.memory_space<hbm>>
      %dma_start3A_39 = tpu.memref_slice %arg14[%mul3A_2] : memref<163840xf32, #tpu.memory_space<hbm>> -> memref<5120xf32, #tpu.memory_space<hbm>>
      tpu.enqueue_dma source(%arg23 : memref<5120xf32, #tpu.memory_space<vmem>>) target(%dma_start3A_39 : memref<5120xf32, #tpu.memory_space<hbm>>) target_semaphore(%run_scoped3A : memref<!tpu.dma_semaphore, #tpu.memory_space<semaphore_mem>>)
      %dma_wait3A_40 = tpu.memref_slice %arg14[%mul3A_2] : memref<163840xf32, #tpu.memory_space<hbm>> -> memref<5120xf32, #tpu.memory_space<hbm>>
      %dma_wait3A_41 = tpu.memref_slice %arg14[%mul3A_2] : memref<163840xf32, #tpu.memory_space<hbm>> -> memref<5120xf32, #tpu.memory_space<hbm>>
      tpu.wait_dma2 semaphore(%run_scoped3A : memref<!tpu.dma_semaphore, #tpu.memory_space<semaphore_mem>>) src(%arg23 : memref<5120xf32, #tpu.memory_space<vmem>>) dst(%dma_wait3A_41 : memref<5120xf32, #tpu.memory_space<hbm>>)
      tpu.yield
    }) : () -> ()
    "tpu.region"() ({
      %run_scoped3A = tpu.sem_alloc : memref<!tpu.dma_semaphore, #tpu.memory_space<semaphore_mem>>
      %dma_start3A_38 = tpu.memref_slice %arg15[%mul3A_2] : memref<163840xf32, #tpu.memory_space<hbm>> -> memref<5120xf32, #tpu.memory_space<hbm>>
      %dma_start3A_39 = tpu.memref_slice %arg15[%mul3A_2] : memref<163840xf32, #tpu.memory_space<hbm>> -> memref<5120xf32, #tpu.memory_space<hbm>>
      tpu.enqueue_dma source(%arg24 : memref<5120xf32, #tpu.memory_space<vmem>>) target(%dma_start3A_39 : memref<5120xf32, #tpu.memory_space<hbm>>) target_semaphore(%run_scoped3A : memref<!tpu.dma_semaphore, #tpu.memory_space<semaphore_mem>>)
      %dma_wait3A_40 = tpu.memref_slice %arg15[%mul3A_2] : memref<163840xf32, #tpu.memory_space<hbm>> -> memref<5120xf32, #tpu.memory_space<hbm>>
      %dma_wait3A_41 = tpu.memref_slice %arg15[%mul3A_2] : memref<163840xf32, #tpu.memory_space<hbm>> -> memref<5120xf32, #tpu.memory_space<hbm>>
      tpu.wait_dma2 semaphore(%run_scoped3A : memref<!tpu.dma_semaphore, #tpu.memory_space<semaphore_mem>>) src(%arg24 : memref<5120xf32, #tpu.memory_space<vmem>>) dst(%dma_wait3A_41 : memref<5120xf32, #tpu.memory_space<hbm>>)
      tpu.yield
    }) : () -> ()
    return
  }
}

module attributes {stable_mosaic.version = 14 : i64} {
  func.func @_nms_block(%arg0: i32, %arg1: memref<256x128xf32, #tpu.memory_space<vmem>>, %arg2: memref<256x128xf32, #tpu.memory_space<vmem>>, %arg3: memref<256x128xf32, #tpu.memory_space<vmem>>, %arg4: memref<256x128xf32, #tpu.memory_space<vmem>>, %arg5: memref<256x128xf32, #tpu.memory_space<vmem>>, %arg6: memref<256x128xf32, #tpu.memory_space<vmem>>, %arg7: memref<256x128xf32, #tpu.memory_space<vmem>>) attributes {dimension_semantics = [#tpu.dimension_semantics<arbitrary>], iteration_bounds = array<i64: 5>, scalar_prefetch = 0 : i64, scratch_operands = 1 : i64, tpu.core_type = #tpu.core_type<tc>, window_params = [{transform_indices = @transform_0, window_bounds = array<i64: 256, 128>}, {transform_indices = @transform_1, window_bounds = array<i64: 256, 128>}, {transform_indices = @transform_2, window_bounds = array<i64: 256, 128>}, {transform_indices = @transform_3, window_bounds = array<i64: 256, 128>}, {transform_indices = @transform_4, window_bounds = array<i64: 256, 128>}, {transform_indices = @transform_5, window_bounds = array<i64: 256, 128>}]} {
    %get3A = arith.constant 0 : index
    %get3A_0 = arith.constant 0 : index
    %get3A_1 = vector.load %arg1[%get3A, %get3A_0] : memref<256x128xf32, #tpu.memory_space<vmem>>, vector<256x128xf32>
    %get3A_2 = arith.constant 0 : index
    %get3A_3 = arith.constant 0 : index
    %get3A_4 = vector.load %arg2[%get3A_2, %get3A_3] : memref<256x128xf32, #tpu.memory_space<vmem>>, vector<256x128xf32>
    %get3A_5 = arith.constant 0 : index
    %get3A_6 = arith.constant 0 : index
    %get3A_7 = vector.load %arg3[%get3A_5, %get3A_6] : memref<256x128xf32, #tpu.memory_space<vmem>>, vector<256x128xf32>
    %get3A_8 = arith.constant 0 : index
    %get3A_9 = arith.constant 0 : index
    %get3A_10 = vector.load %arg4[%get3A_8, %get3A_9] : memref<256x128xf32, #tpu.memory_space<vmem>>, vector<256x128xf32>
    %get3A_11 = arith.constant 0 : index
    %get3A_12 = arith.constant 0 : index
    %get3A_13 = vector.load %arg5[%get3A_11, %get3A_12] : memref<256x128xf32, #tpu.memory_space<vmem>>, vector<256x128xf32>
    %sub3A = arith.subf %get3A_7, %get3A_1 : vector<256x128xf32>
    %sub3A_14 = arith.subf %get3A_10, %get3A_4 : vector<256x128xf32>
    %mul3A = arith.mulf %sub3A, %sub3A_14 : vector<256x128xf32>
    %gt3A = arith.constant 5.000000e-02 : f32
    %gt3A_15 = vector.broadcast %gt3A : f32 to vector<256x128xf32>
    %gt3A_16 = arith.cmpf ogt, %get3A_13, %gt3A_15 : vector<256x128xf32>
    %jit3A = arith.constant 0.000000e+00 : f32
    %jit3A_17 = arith.constant 1.000000e+00 : f32
    %broadcast_in_dim3A = vector.broadcast %jit3A : f32 to vector<256x128xf32>
    %broadcast_in_dim3A_18 = vector.broadcast %jit3A_17 : f32 to vector<256x128xf32>
    %select_n3A = arith.select %gt3A_16, %broadcast_in_dim3A, %broadcast_in_dim3A_18 : vector<256x128xi1>, vector<256x128xf32>
    %swap3A = arith.constant 0 : index
    %swap3A_19 = arith.constant 0 : index
    %swap3A_20 = vector.load %arg7[%swap3A, %swap3A_19] : memref<256x128xf32, #tpu.memory_space<vmem>>, vector<256x128xf32>
    tpu.vector_store %arg7[%swap3A, %swap3A_19], %select_n3A {strides = array<i32>} : memref<256x128xf32, #tpu.memory_space<vmem>>, vector<256x128xf32>,
    %iota3A = tpu.iota {dimensions = array<i32: 0>} : vector<256x128xi32>
    %iota3A_21 = tpu.iota {dimensions = array<i32: 0>} : vector<8x128xi32>
    %scan3A = arith.constant 0 : i32
    %scan3A_22 = arith.constant 32 : i32
    %scan3A_23 = arith.addi %scan3A, %scan3A_22 : i32
    %scan3A_24 = arith.constant 1 : i32
    scf.for %scan3A_37 = %scan3A to %scan3A_23 step %scan3A_24  : i32 {
      %mul3A_38 = arith.constant 8 : i32
      %mul3A_39 = arith.muli %scan3A_37, %mul3A_38 : i32
      %get3A_40 = arith.index_cast %mul3A_39 : i32 to index
      %get3A_41 = arith.constant 0 : index
      %get3A_42 = vector.load %arg1[%get3A_40, %get3A_41] : memref<256x128xf32, #tpu.memory_space<vmem>>, vector<8x128xf32>
      %get3A_43 = arith.index_cast %mul3A_39 : i32 to index
      %get3A_44 = arith.constant 0 : index
      %get3A_45 = vector.load %arg2[%get3A_43, %get3A_44] : memref<256x128xf32, #tpu.memory_space<vmem>>, vector<8x128xf32>
      %get3A_46 = arith.index_cast %mul3A_39 : i32 to index
      %get3A_47 = arith.constant 0 : index
      %get3A_48 = vector.load %arg3[%get3A_46, %get3A_47] : memref<256x128xf32, #tpu.memory_space<vmem>>, vector<8x128xf32>
      %get3A_49 = arith.index_cast %mul3A_39 : i32 to index
      %get3A_50 = arith.constant 0 : index
      %get3A_51 = vector.load %arg4[%get3A_49, %get3A_50] : memref<256x128xf32, #tpu.memory_space<vmem>>, vector<8x128xf32>
      %sub3A_52 = arith.subf %get3A_48, %get3A_42 : vector<8x128xf32>
      %sub3A_53 = arith.subf %get3A_51, %get3A_45 : vector<8x128xf32>
      %mul3A_54 = arith.mulf %sub3A_52, %sub3A_53 : vector<8x128xf32>
      %get3A_55 = arith.index_cast %mul3A_39 : i32 to index
      %get3A_56 = arith.constant 0 : index
      %get3A_57 = vector.load %arg7[%get3A_55, %get3A_56] : memref<256x128xf32, #tpu.memory_space<vmem>>, vector<8x128xf32>
      %slice3A = vector.extract_strided_slice %get3A_42 {offsets = [0, 0], sizes = [1, 128], strides = [1, 1]} : vector<8x128xf32> to vector<1x128xf32>
      %max3A = vector.broadcast %slice3A : vector<1x128xf32> to vector<8x128xf32>
      %max3A_58 = arith.maximumf %max3A, %get3A_42 : vector<8x128xf32>
      %slice3A_59 = vector.extract_strided_slice %get3A_45 {offsets = [0, 0], sizes = [1, 128], strides = [1, 1]} : vector<8x128xf32> to vector<1x128xf32>
      %max3A_60 = vector.broadcast %slice3A_59 : vector<1x128xf32> to vector<8x128xf32>
      %max3A_61 = arith.maximumf %max3A_60, %get3A_45 : vector<8x128xf32>
      %slice3A_62 = vector.extract_strided_slice %get3A_48 {offsets = [0, 0], sizes = [1, 128], strides = [1, 1]} : vector<8x128xf32> to vector<1x128xf32>
      %min3A = vector.broadcast %slice3A_62 : vector<1x128xf32> to vector<8x128xf32>
      %min3A_63 = arith.minimumf %min3A, %get3A_48 : vector<8x128xf32>
      %slice3A_64 = vector.extract_strided_slice %get3A_51 {offsets = [0, 0], sizes = [1, 128], strides = [1, 1]} : vector<8x128xf32> to vector<1x128xf32>
      %min3A_65 = vector.broadcast %slice3A_64 : vector<1x128xf32> to vector<8x128xf32>
      %min3A_66 = arith.minimumf %min3A_65, %get3A_51 : vector<8x128xf32>
      %sub3A_67 = arith.subf %min3A_63, %max3A_58 : vector<8x128xf32>
      %max3A_68 = arith.constant 0.000000e+00 : f32
      %max3A_69 = vector.broadcast %max3A_68 : f32 to vector<8x128xf32>
      %max3A_70 = arith.maximumf %sub3A_67, %max3A_69 : vector<8x128xf32>
      %sub3A_71 = arith.subf %min3A_66, %max3A_61 : vector<8x128xf32>
      %max3A_72 = arith.constant 0.000000e+00 : f32
      %max3A_73 = vector.broadcast %max3A_72 : f32 to vector<8x128xf32>
      %max3A_74 = arith.maximumf %sub3A_71, %max3A_73 : vector<8x128xf32>
      %mul3A_75 = arith.mulf %max3A_70, %max3A_74 : vector<8x128xf32>
      %slice3A_76 = vector.extract_strided_slice %mul3A_54 {offsets = [0, 0], sizes = [1, 128], strides = [1, 1]} : vector<8x128xf32> to vector<1x128xf32>
      %add3A = vector.broadcast %slice3A_76 : vector<1x128xf32> to vector<8x128xf32>
      %add3A_77 = arith.addf %add3A, %mul3A_54 : vector<8x128xf32>
      %sub3A_78 = arith.subf %add3A_77, %mul3A_75 : vector<8x128xf32>
      %max3A_79 = arith.constant 9.99999993E-9 : f32
      %max3A_80 = vector.broadcast %max3A_79 : f32 to vector<8x128xf32>
      %max3A_81 = arith.maximumf %sub3A_78, %max3A_80 : vector<8x128xf32>
      %mul3A_82 = arith.constant 5.000000e-01 : f32
      %mul3A_83 = vector.broadcast %mul3A_82 : f32 to vector<8x128xf32>
      %mul3A_84 = arith.mulf %mul3A_83, %max3A_81 : vector<8x128xf32>
      %sub3A_85 = arith.subf %mul3A_75, %mul3A_84 : vector<8x128xf32>
      %mul3A_86 = arith.constant 1.49011612E-8 : f32
      %mul3A_87 = vector.broadcast %mul3A_86 : f32 to vector<8x128xf32>
      %mul3A_88 = arith.mulf %max3A_81, %mul3A_87 : vector<8x128xf32>
      %gt3A_89 = arith.cmpf ogt, %sub3A_85, %mul3A_88 : vector<8x128xf32>
      %gt3A_90 = arith.constant 0 : i32
      %gt3A_91 = vector.broadcast %gt3A_90 : i32 to vector<8x128xi32>
      %gt3A_92 = arith.cmpi sgt, %iota3A_21, %gt3A_91 : vector<8x128xi32>
      %and3A_93 = arith.andi %gt3A_89, %gt3A_92 : vector<8x128xi1>
      %jit3A_94 = arith.constant 1.000000e+00 : f32
      %jit3A_95 = arith.constant 0.000000e+00 : f32
      %broadcast_in_dim3A_96 = vector.broadcast %jit3A_94 : f32 to vector<8x128xf32>
      %broadcast_in_dim3A_97 = vector.broadcast %jit3A_95 : f32 to vector<8x128xf32>
      %select_n3A_98 = arith.select %and3A_93, %broadcast_in_dim3A_96, %broadcast_in_dim3A_97 : vector<8x128xi1>, vector<8x128xf32>
      %slice3A_99 = vector.extract_strided_slice %get3A_57 {offsets = [0, 0], sizes = [1, 128], strides = [1, 1]} : vector<8x128xf32> to vector<1x128xf32>
      %sub3A_100 = arith.constant 1.000000e+00 : f32
      %sub3A_101 = vector.broadcast %sub3A_100 : f32 to vector<1x128xf32>
      %sub3A_102 = arith.subf %sub3A_101, %slice3A_99 : vector<1x128xf32>
      %mul3A_103 = vector.broadcast %sub3A_102 : vector<1x128xf32> to vector<8x128xf32>
      %mul3A_104 = arith.mulf %select_n3A_98, %mul3A_103 : vector<8x128xf32>
      %max3A_105 = arith.maximumf %get3A_57, %mul3A_104 : vector<8x128xf32>
      %slice3A_106 = vector.extract_strided_slice %get3A_42 {offsets = [1, 0], sizes = [1, 128], strides = [1, 1]} : vector<8x128xf32> to vector<1x128xf32>
      %max3A_107 = vector.broadcast %slice3A_106 : vector<1x128xf32> to vector<8x128xf32>
      %max3A_108 = arith.maximumf %max3A_107, %get3A_42 : vector<8x128xf32>
      %slice3A_109 = vector.extract_strided_slice %get3A_45 {offsets = [1, 0], sizes = [1, 128], strides = [1, 1]} : vector<8x128xf32> to vector<1x128xf32>
      %max3A_110 = vector.broadcast %slice3A_109 : vector<1x128xf32> to vector<8x128xf32>
      %max3A_111 = arith.maximumf %max3A_110, %get3A_45 : vector<8x128xf32>
      %slice3A_112 = vector.extract_strided_slice %get3A_48 {offsets = [1, 0], sizes = [1, 128], strides = [1, 1]} : vector<8x128xf32> to vector<1x128xf32>
      %min3A_113 = vector.broadcast %slice3A_112 : vector<1x128xf32> to vector<8x128xf32>
      %min3A_114 = arith.minimumf %min3A_113, %get3A_48 : vector<8x128xf32>
      %slice3A_115 = vector.extract_strided_slice %get3A_51 {offsets = [1, 0], sizes = [1, 128], strides = [1, 1]} : vector<8x128xf32> to vector<1x128xf32>
      %min3A_116 = vector.broadcast %slice3A_115 : vector<1x128xf32> to vector<8x128xf32>
      %min3A_117 = arith.minimumf %min3A_116, %get3A_51 : vector<8x128xf32>
      %sub3A_118 = arith.subf %min3A_114, %max3A_108 : vector<8x128xf32>
      %max3A_119 = arith.constant 0.000000e+00 : f32
      %max3A_120 = vector.broadcast %max3A_119 : f32 to vector<8x128xf32>
      %max3A_121 = arith.maximumf %sub3A_118, %max3A_120 : vector<8x128xf32>
      %sub3A_122 = arith.subf %min3A_117, %max3A_111 : vector<8x128xf32>
      %max3A_123 = arith.constant 0.000000e+00 : f32
      %max3A_124 = vector.broadcast %max3A_123 : f32 to vector<8x128xf32>
      %max3A_125 = arith.maximumf %sub3A_122, %max3A_124 : vector<8x128xf32>
      %mul3A_126 = arith.mulf %max3A_121, %max3A_125 : vector<8x128xf32>
      %slice3A_127 = vector.extract_strided_slice %mul3A_54 {offsets = [1, 0], sizes = [1, 128], strides = [1, 1]} : vector<8x128xf32> to vector<1x128xf32>
      %add3A_128 = vector.broadcast %slice3A_127 : vector<1x128xf32> to vector<8x128xf32>
      %add3A_129 = arith.addf %add3A_128, %mul3A_54 : vector<8x128xf32>
      %sub3A_130 = arith.subf %add3A_129, %mul3A_126 : vector<8x128xf32>
      %max3A_131 = arith.constant 9.99999993E-9 : f32
      %max3A_132 = vector.broadcast %max3A_131 : f32 to vector<8x128xf32>
      %max3A_133 = arith.maximumf %sub3A_130, %max3A_132 : vector<8x128xf32>
      %mul3A_134 = arith.constant 5.000000e-01 : f32
      %mul3A_135 = vector.broadcast %mul3A_134 : f32 to vector<8x128xf32>
      %mul3A_136 = arith.mulf %mul3A_135, %max3A_133 : vector<8x128xf32>
      %sub3A_137 = arith.subf %mul3A_126, %mul3A_136 : vector<8x128xf32>
      %mul3A_138 = arith.constant 1.49011612E-8 : f32
      %mul3A_139 = vector.broadcast %mul3A_138 : f32 to vector<8x128xf32>
      %mul3A_140 = arith.mulf %max3A_133, %mul3A_139 : vector<8x128xf32>
      %gt3A_141 = arith.cmpf ogt, %sub3A_137, %mul3A_140 : vector<8x128xf32>
      %gt3A_142 = arith.constant 1 : i32
      %gt3A_143 = vector.broadcast %gt3A_142 : i32 to vector<8x128xi32>
      %gt3A_144 = arith.cmpi sgt, %iota3A_21, %gt3A_143 : vector<8x128xi32>
      %and3A_145 = arith.andi %gt3A_141, %gt3A_144 : vector<8x128xi1>
      %jit3A_146 = arith.constant 1.000000e+00 : f32
      %jit3A_147 = arith.constant 0.000000e+00 : f32
      %broadcast_in_dim3A_148 = vector.broadcast %jit3A_146 : f32 to vector<8x128xf32>
      %broadcast_in_dim3A_149 = vector.broadcast %jit3A_147 : f32 to vector<8x128xf32>
      %select_n3A_150 = arith.select %and3A_145, %broadcast_in_dim3A_148, %broadcast_in_dim3A_149 : vector<8x128xi1>, vector<8x128xf32>
      %slice3A_151 = vector.extract_strided_slice %max3A_105 {offsets = [1, 0], sizes = [1, 128], strides = [1, 1]} : vector<8x128xf32> to vector<1x128xf32>
      %sub3A_152 = arith.constant 1.000000e+00 : f32
      %sub3A_153 = vector.broadcast %sub3A_152 : f32 to vector<1x128xf32>
      %sub3A_154 = arith.subf %sub3A_153, %slice3A_151 : vector<1x128xf32>
      %mul3A_155 = vector.broadcast %sub3A_154 : vector<1x128xf32> to vector<8x128xf32>
      %mul3A_156 = arith.mulf %select_n3A_150, %mul3A_155 : vector<8x128xf32>
      %max3A_157 = arith.maximumf %max3A_105, %mul3A_156 : vector<8x128xf32>
      %slice3A_158 = vector.extract_strided_slice %get3A_42 {offsets = [2, 0], sizes = [1, 128], strides = [1, 1]} : vector<8x128xf32> to vector<1x128xf32>
      %max3A_159 = vector.broadcast %slice3A_158 : vector<1x128xf32> to vector<8x128xf32>
      %max3A_160 = arith.maximumf %max3A_159, %get3A_42 : vector<8x128xf32>
      %slice3A_161 = vector.extract_strided_slice %get3A_45 {offsets = [2, 0], sizes = [1, 128], strides = [1, 1]} : vector<8x128xf32> to vector<1x128xf32>
      %max3A_162 = vector.broadcast %slice3A_161 : vector<1x128xf32> to vector<8x128xf32>
      %max3A_163 = arith.maximumf %max3A_162, %get3A_45 : vector<8x128xf32>
      %slice3A_164 = vector.extract_strided_slice %get3A_48 {offsets = [2, 0], sizes = [1, 128], strides = [1, 1]} : vector<8x128xf32> to vector<1x128xf32>
      %min3A_165 = vector.broadcast %slice3A_164 : vector<1x128xf32> to vector<8x128xf32>
      %min3A_166 = arith.minimumf %min3A_165, %get3A_48 : vector<8x128xf32>
      %slice3A_167 = vector.extract_strided_slice %get3A_51 {offsets = [2, 0], sizes = [1, 128], strides = [1, 1]} : vector<8x128xf32> to vector<1x128xf32>
      %min3A_168 = vector.broadcast %slice3A_167 : vector<1x128xf32> to vector<8x128xf32>
      %min3A_169 = arith.minimumf %min3A_168, %get3A_51 : vector<8x128xf32>
      %sub3A_170 = arith.subf %min3A_166, %max3A_160 : vector<8x128xf32>
      %max3A_171 = arith.constant 0.000000e+00 : f32
      %max3A_172 = vector.broadcast %max3A_171 : f32 to vector<8x128xf32>
      %max3A_173 = arith.maximumf %sub3A_170, %max3A_172 : vector<8x128xf32>
      %sub3A_174 = arith.subf %min3A_169, %max3A_163 : vector<8x128xf32>
      %max3A_175 = arith.constant 0.000000e+00 : f32
      %max3A_176 = vector.broadcast %max3A_175 : f32 to vector<8x128xf32>
      %max3A_177 = arith.maximumf %sub3A_174, %max3A_176 : vector<8x128xf32>
      %mul3A_178 = arith.mulf %max3A_173, %max3A_177 : vector<8x128xf32>
      %slice3A_179 = vector.extract_strided_slice %mul3A_54 {offsets = [2, 0], sizes = [1, 128], strides = [1, 1]} : vector<8x128xf32> to vector<1x128xf32>
      %add3A_180 = vector.broadcast %slice3A_179 : vector<1x128xf32> to vector<8x128xf32>
      %add3A_181 = arith.addf %add3A_180, %mul3A_54 : vector<8x128xf32>
      %sub3A_182 = arith.subf %add3A_181, %mul3A_178 : vector<8x128xf32>
      %max3A_183 = arith.constant 9.99999993E-9 : f32
      %max3A_184 = vector.broadcast %max3A_183 : f32 to vector<8x128xf32>
      %max3A_185 = arith.maximumf %sub3A_182, %max3A_184 : vector<8x128xf32>
      %mul3A_186 = arith.constant 5.000000e-01 : f32
      %mul3A_187 = vector.broadcast %mul3A_186 : f32 to vector<8x128xf32>
      %mul3A_188 = arith.mulf %mul3A_187, %max3A_185 : vector<8x128xf32>
      %sub3A_189 = arith.subf %mul3A_178, %mul3A_188 : vector<8x128xf32>
      %mul3A_190 = arith.constant 1.49011612E-8 : f32
      %mul3A_191 = vector.broadcast %mul3A_190 : f32 to vector<8x128xf32>
      %mul3A_192 = arith.mulf %max3A_185, %mul3A_191 : vector<8x128xf32>
      %gt3A_193 = arith.cmpf ogt, %sub3A_189, %mul3A_192 : vector<8x128xf32>
      %gt3A_194 = arith.constant 2 : i32
      %gt3A_195 = vector.broadcast %gt3A_194 : i32 to vector<8x128xi32>
      %gt3A_196 = arith.cmpi sgt, %iota3A_21, %gt3A_195 : vector<8x128xi32>
      %and3A_197 = arith.andi %gt3A_193, %gt3A_196 : vector<8x128xi1>
      %jit3A_198 = arith.constant 1.000000e+00 : f32
      %jit3A_199 = arith.constant 0.000000e+00 : f32
      %broadcast_in_dim3A_200 = vector.broadcast %jit3A_198 : f32 to vector<8x128xf32>
      %broadcast_in_dim3A_201 = vector.broadcast %jit3A_199 : f32 to vector<8x128xf32>
      %select_n3A_202 = arith.select %and3A_197, %broadcast_in_dim3A_200, %broadcast_in_dim3A_201 : vector<8x128xi1>, vector<8x128xf32>
      %slice3A_203 = vector.extract_strided_slice %max3A_157 {offsets = [2, 0], sizes = [1, 128], strides = [1, 1]} : vector<8x128xf32> to vector<1x128xf32>
      %sub3A_204 = arith.constant 1.000000e+00 : f32
      %sub3A_205 = vector.broadcast %sub3A_204 : f32 to vector<1x128xf32>
      %sub3A_206 = arith.subf %sub3A_205, %slice3A_203 : vector<1x128xf32>
      %mul3A_207 = vector.broadcast %sub3A_206 : vector<1x128xf32> to vector<8x128xf32>
      %mul3A_208 = arith.mulf %select_n3A_202, %mul3A_207 : vector<8x128xf32>
      %max3A_209 = arith.maximumf %max3A_157, %mul3A_208 : vector<8x128xf32>
      %slice3A_210 = vector.extract_strided_slice %get3A_42 {offsets = [3, 0], sizes = [1, 128], strides = [1, 1]} : vector<8x128xf32> to vector<1x128xf32>
      %max3A_211 = vector.broadcast %slice3A_210 : vector<1x128xf32> to vector<8x128xf32>
      %max3A_212 = arith.maximumf %max3A_211, %get3A_42 : vector<8x128xf32>
      %slice3A_213 = vector.extract_strided_slice %get3A_45 {offsets = [3, 0], sizes = [1, 128], strides = [1, 1]} : vector<8x128xf32> to vector<1x128xf32>
      %max3A_214 = vector.broadcast %slice3A_213 : vector<1x128xf32> to vector<8x128xf32>
      %max3A_215 = arith.maximumf %max3A_214, %get3A_45 : vector<8x128xf32>
      %slice3A_216 = vector.extract_strided_slice %get3A_48 {offsets = [3, 0], sizes = [1, 128], strides = [1, 1]} : vector<8x128xf32> to vector<1x128xf32>
      %min3A_217 = vector.broadcast %slice3A_216 : vector<1x128xf32> to vector<8x128xf32>
      %min3A_218 = arith.minimumf %min3A_217, %get3A_48 : vector<8x128xf32>
      %slice3A_219 = vector.extract_strided_slice %get3A_51 {offsets = [3, 0], sizes = [1, 128], strides = [1, 1]} : vector<8x128xf32> to vector<1x128xf32>
      %min3A_220 = vector.broadcast %slice3A_219 : vector<1x128xf32> to vector<8x128xf32>
      %min3A_221 = arith.minimumf %min3A_220, %get3A_51 : vector<8x128xf32>
      %sub3A_222 = arith.subf %min3A_218, %max3A_212 : vector<8x128xf32>
      %max3A_223 = arith.constant 0.000000e+00 : f32
      %max3A_224 = vector.broadcast %max3A_223 : f32 to vector<8x128xf32>
      %max3A_225 = arith.maximumf %sub3A_222, %max3A_224 : vector<8x128xf32>
      %sub3A_226 = arith.subf %min3A_221, %max3A_215 : vector<8x128xf32>
      %max3A_227 = arith.constant 0.000000e+00 : f32
      %max3A_228 = vector.broadcast %max3A_227 : f32 to vector<8x128xf32>
      %max3A_229 = arith.maximumf %sub3A_226, %max3A_228 : vector<8x128xf32>
      %mul3A_230 = arith.mulf %max3A_225, %max3A_229 : vector<8x128xf32>
      %slice3A_231 = vector.extract_strided_slice %mul3A_54 {offsets = [3, 0], sizes = [1, 128], strides = [1, 1]} : vector<8x128xf32> to vector<1x128xf32>
      %add3A_232 = vector.broadcast %slice3A_231 : vector<1x128xf32> to vector<8x128xf32>
      %add3A_233 = arith.addf %add3A_232, %mul3A_54 : vector<8x128xf32>
      %sub3A_234 = arith.subf %add3A_233, %mul3A_230 : vector<8x128xf32>
      %max3A_235 = arith.constant 9.99999993E-9 : f32
      %max3A_236 = vector.broadcast %max3A_235 : f32 to vector<8x128xf32>
      %max3A_237 = arith.maximumf %sub3A_234, %max3A_236 : vector<8x128xf32>
      %mul3A_238 = arith.constant 5.000000e-01 : f32
      %mul3A_239 = vector.broadcast %mul3A_238 : f32 to vector<8x128xf32>
      %mul3A_240 = arith.mulf %mul3A_239, %max3A_237 : vector<8x128xf32>
      %sub3A_241 = arith.subf %mul3A_230, %mul3A_240 : vector<8x128xf32>
      %mul3A_242 = arith.constant 1.49011612E-8 : f32
      %mul3A_243 = vector.broadcast %mul3A_242 : f32 to vector<8x128xf32>
      %mul3A_244 = arith.mulf %max3A_237, %mul3A_243 : vector<8x128xf32>
      %gt3A_245 = arith.cmpf ogt, %sub3A_241, %mul3A_244 : vector<8x128xf32>
      %gt3A_246 = arith.constant 3 : i32
      %gt3A_247 = vector.broadcast %gt3A_246 : i32 to vector<8x128xi32>
      %gt3A_248 = arith.cmpi sgt, %iota3A_21, %gt3A_247 : vector<8x128xi32>
      %and3A_249 = arith.andi %gt3A_245, %gt3A_248 : vector<8x128xi1>
      %jit3A_250 = arith.constant 1.000000e+00 : f32
      %jit3A_251 = arith.constant 0.000000e+00 : f32
      %broadcast_in_dim3A_252 = vector.broadcast %jit3A_250 : f32 to vector<8x128xf32>
      %broadcast_in_dim3A_253 = vector.broadcast %jit3A_251 : f32 to vector<8x128xf32>
      %select_n3A_254 = arith.select %and3A_249, %broadcast_in_dim3A_252, %broadcast_in_dim3A_253 : vector<8x128xi1>, vector<8x128xf32>
      %slice3A_255 = vector.extract_strided_slice %max3A_209 {offsets = [3, 0], sizes = [1, 128], strides = [1, 1]} : vector<8x128xf32> to vector<1x128xf32>
      %sub3A_256 = arith.constant 1.000000e+00 : f32
      %sub3A_257 = vector.broadcast %sub3A_256 : f32 to vector<1x128xf32>
      %sub3A_258 = arith.subf %sub3A_257, %slice3A_255 : vector<1x128xf32>
      %mul3A_259 = vector.broadcast %sub3A_258 : vector<1x128xf32> to vector<8x128xf32>
      %mul3A_260 = arith.mulf %select_n3A_254, %mul3A_259 : vector<8x128xf32>
      %max3A_261 = arith.maximumf %max3A_209, %mul3A_260 : vector<8x128xf32>
      %slice3A_262 = vector.extract_strided_slice %get3A_42 {offsets = [4, 0], sizes = [1, 128], strides = [1, 1]} : vector<8x128xf32> to vector<1x128xf32>
      %max3A_263 = vector.broadcast %slice3A_262 : vector<1x128xf32> to vector<8x128xf32>
      %max3A_264 = arith.maximumf %max3A_263, %get3A_42 : vector<8x128xf32>
      %slice3A_265 = vector.extract_strided_slice %get3A_45 {offsets = [4, 0], sizes = [1, 128], strides = [1, 1]} : vector<8x128xf32> to vector<1x128xf32>
      %max3A_266 = vector.broadcast %slice3A_265 : vector<1x128xf32> to vector<8x128xf32>
      %max3A_267 = arith.maximumf %max3A_266, %get3A_45 : vector<8x128xf32>
      %slice3A_268 = vector.extract_strided_slice %get3A_48 {offsets = [4, 0], sizes = [1, 128], strides = [1, 1]} : vector<8x128xf32> to vector<1x128xf32>
      %min3A_269 = vector.broadcast %slice3A_268 : vector<1x128xf32> to vector<8x128xf32>
      %min3A_270 = arith.minimumf %min3A_269, %get3A_48 : vector<8x128xf32>
      %slice3A_271 = vector.extract_strided_slice %get3A_51 {offsets = [4, 0], sizes = [1, 128], strides = [1, 1]} : vector<8x128xf32> to vector<1x128xf32>
      %min3A_272 = vector.broadcast %slice3A_271 : vector<1x128xf32> to vector<8x128xf32>
      %min3A_273 = arith.minimumf %min3A_272, %get3A_51 : vector<8x128xf32>
      %sub3A_274 = arith.subf %min3A_270, %max3A_264 : vector<8x128xf32>
      %max3A_275 = arith.constant 0.000000e+00 : f32
      %max3A_276 = vector.broadcast %max3A_275 : f32 to vector<8x128xf32>
      %max3A_277 = arith.maximumf %sub3A_274, %max3A_276 : vector<8x128xf32>
      %sub3A_278 = arith.subf %min3A_273, %max3A_267 : vector<8x128xf32>
      %max3A_279 = arith.constant 0.000000e+00 : f32
      %max3A_280 = vector.broadcast %max3A_279 : f32 to vector<8x128xf32>
      %max3A_281 = arith.maximumf %sub3A_278, %max3A_280 : vector<8x128xf32>
      %mul3A_282 = arith.mulf %max3A_277, %max3A_281 : vector<8x128xf32>
      %slice3A_283 = vector.extract_strided_slice %mul3A_54 {offsets = [4, 0], sizes = [1, 128], strides = [1, 1]} : vector<8x128xf32> to vector<1x128xf32>
      %add3A_284 = vector.broadcast %slice3A_283 : vector<1x128xf32> to vector<8x128xf32>
      %add3A_285 = arith.addf %add3A_284, %mul3A_54 : vector<8x128xf32>
      %sub3A_286 = arith.subf %add3A_285, %mul3A_282 : vector<8x128xf32>
      %max3A_287 = arith.constant 9.99999993E-9 : f32
      %max3A_288 = vector.broadcast %max3A_287 : f32 to vector<8x128xf32>
      %max3A_289 = arith.maximumf %sub3A_286, %max3A_288 : vector<8x128xf32>
      %mul3A_290 = arith.constant 5.000000e-01 : f32
      %mul3A_291 = vector.broadcast %mul3A_290 : f32 to vector<8x128xf32>
      %mul3A_292 = arith.mulf %mul3A_291, %max3A_289 : vector<8x128xf32>
      %sub3A_293 = arith.subf %mul3A_282, %mul3A_292 : vector<8x128xf32>
      %mul3A_294 = arith.constant 1.49011612E-8 : f32
      %mul3A_295 = vector.broadcast %mul3A_294 : f32 to vector<8x128xf32>
      %mul3A_296 = arith.mulf %max3A_289, %mul3A_295 : vector<8x128xf32>
      %gt3A_297 = arith.cmpf ogt, %sub3A_293, %mul3A_296 : vector<8x128xf32>
      %gt3A_298 = arith.constant 4 : i32
      %gt3A_299 = vector.broadcast %gt3A_298 : i32 to vector<8x128xi32>
      %gt3A_300 = arith.cmpi sgt, %iota3A_21, %gt3A_299 : vector<8x128xi32>
      %and3A_301 = arith.andi %gt3A_297, %gt3A_300 : vector<8x128xi1>
      %jit3A_302 = arith.constant 1.000000e+00 : f32
      %jit3A_303 = arith.constant 0.000000e+00 : f32
      %broadcast_in_dim3A_304 = vector.broadcast %jit3A_302 : f32 to vector<8x128xf32>
      %broadcast_in_dim3A_305 = vector.broadcast %jit3A_303 : f32 to vector<8x128xf32>
      %select_n3A_306 = arith.select %and3A_301, %broadcast_in_dim3A_304, %broadcast_in_dim3A_305 : vector<8x128xi1>, vector<8x128xf32>
      %slice3A_307 = vector.extract_strided_slice %max3A_261 {offsets = [4, 0], sizes = [1, 128], strides = [1, 1]} : vector<8x128xf32> to vector<1x128xf32>
      %sub3A_308 = arith.constant 1.000000e+00 : f32
      %sub3A_309 = vector.broadcast %sub3A_308 : f32 to vector<1x128xf32>
      %sub3A_310 = arith.subf %sub3A_309, %slice3A_307 : vector<1x128xf32>
      %mul3A_311 = vector.broadcast %sub3A_310 : vector<1x128xf32> to vector<8x128xf32>
      %mul3A_312 = arith.mulf %select_n3A_306, %mul3A_311 : vector<8x128xf32>
      %max3A_313 = arith.maximumf %max3A_261, %mul3A_312 : vector<8x128xf32>
      %slice3A_314 = vector.extract_strided_slice %get3A_42 {offsets = [5, 0], sizes = [1, 128], strides = [1, 1]} : vector<8x128xf32> to vector<1x128xf32>
      %max3A_315 = vector.broadcast %slice3A_314 : vector<1x128xf32> to vector<8x128xf32>
      %max3A_316 = arith.maximumf %max3A_315, %get3A_42 : vector<8x128xf32>
      %slice3A_317 = vector.extract_strided_slice %get3A_45 {offsets = [5, 0], sizes = [1, 128], strides = [1, 1]} : vector<8x128xf32> to vector<1x128xf32>
      %max3A_318 = vector.broadcast %slice3A_317 : vector<1x128xf32> to vector<8x128xf32>
      %max3A_319 = arith.maximumf %max3A_318, %get3A_45 : vector<8x128xf32>
      %slice3A_320 = vector.extract_strided_slice %get3A_48 {offsets = [5, 0], sizes = [1, 128], strides = [1, 1]} : vector<8x128xf32> to vector<1x128xf32>
      %min3A_321 = vector.broadcast %slice3A_320 : vector<1x128xf32> to vector<8x128xf32>
      %min3A_322 = arith.minimumf %min3A_321, %get3A_48 : vector<8x128xf32>
      %slice3A_323 = vector.extract_strided_slice %get3A_51 {offsets = [5, 0], sizes = [1, 128], strides = [1, 1]} : vector<8x128xf32> to vector<1x128xf32>
      %min3A_324 = vector.broadcast %slice3A_323 : vector<1x128xf32> to vector<8x128xf32>
      %min3A_325 = arith.minimumf %min3A_324, %get3A_51 : vector<8x128xf32>
      %sub3A_326 = arith.subf %min3A_322, %max3A_316 : vector<8x128xf32>
      %max3A_327 = arith.constant 0.000000e+00 : f32
      %max3A_328 = vector.broadcast %max3A_327 : f32 to vector<8x128xf32>
      %max3A_329 = arith.maximumf %sub3A_326, %max3A_328 : vector<8x128xf32>
      %sub3A_330 = arith.subf %min3A_325, %max3A_319 : vector<8x128xf32>
      %max3A_331 = arith.constant 0.000000e+00 : f32
      %max3A_332 = vector.broadcast %max3A_331 : f32 to vector<8x128xf32>
      %max3A_333 = arith.maximumf %sub3A_330, %max3A_332 : vector<8x128xf32>
      %mul3A_334 = arith.mulf %max3A_329, %max3A_333 : vector<8x128xf32>
      %slice3A_335 = vector.extract_strided_slice %mul3A_54 {offsets = [5, 0], sizes = [1, 128], strides = [1, 1]} : vector<8x128xf32> to vector<1x128xf32>
      %add3A_336 = vector.broadcast %slice3A_335 : vector<1x128xf32> to vector<8x128xf32>
      %add3A_337 = arith.addf %add3A_336, %mul3A_54 : vector<8x128xf32>
      %sub3A_338 = arith.subf %add3A_337, %mul3A_334 : vector<8x128xf32>
      %max3A_339 = arith.constant 9.99999993E-9 : f32
      %max3A_340 = vector.broadcast %max3A_339 : f32 to vector<8x128xf32>
      %max3A_341 = arith.maximumf %sub3A_338, %max3A_340 : vector<8x128xf32>
      %mul3A_342 = arith.constant 5.000000e-01 : f32
      %mul3A_343 = vector.broadcast %mul3A_342 : f32 to vector<8x128xf32>
      %mul3A_344 = arith.mulf %mul3A_343, %max3A_341 : vector<8x128xf32>
      %sub3A_345 = arith.subf %mul3A_334, %mul3A_344 : vector<8x128xf32>
      %mul3A_346 = arith.constant 1.49011612E-8 : f32
      %mul3A_347 = vector.broadcast %mul3A_346 : f32 to vector<8x128xf32>
      %mul3A_348 = arith.mulf %max3A_341, %mul3A_347 : vector<8x128xf32>
      %gt3A_349 = arith.cmpf ogt, %sub3A_345, %mul3A_348 : vector<8x128xf32>
      %gt3A_350 = arith.constant 5 : i32
      %gt3A_351 = vector.broadcast %gt3A_350 : i32 to vector<8x128xi32>
      %gt3A_352 = arith.cmpi sgt, %iota3A_21, %gt3A_351 : vector<8x128xi32>
      %and3A_353 = arith.andi %gt3A_349, %gt3A_352 : vector<8x128xi1>
      %jit3A_354 = arith.constant 1.000000e+00 : f32
      %jit3A_355 = arith.constant 0.000000e+00 : f32
      %broadcast_in_dim3A_356 = vector.broadcast %jit3A_354 : f32 to vector<8x128xf32>
      %broadcast_in_dim3A_357 = vector.broadcast %jit3A_355 : f32 to vector<8x128xf32>
      %select_n3A_358 = arith.select %and3A_353, %broadcast_in_dim3A_356, %broadcast_in_dim3A_357 : vector<8x128xi1>, vector<8x128xf32>
      %slice3A_359 = vector.extract_strided_slice %max3A_313 {offsets = [5, 0], sizes = [1, 128], strides = [1, 1]} : vector<8x128xf32> to vector<1x128xf32>
      %sub3A_360 = arith.constant 1.000000e+00 : f32
      %sub3A_361 = vector.broadcast %sub3A_360 : f32 to vector<1x128xf32>
      %sub3A_362 = arith.subf %sub3A_361, %slice3A_359 : vector<1x128xf32>
      %mul3A_363 = vector.broadcast %sub3A_362 : vector<1x128xf32> to vector<8x128xf32>
      %mul3A_364 = arith.mulf %select_n3A_358, %mul3A_363 : vector<8x128xf32>
      %max3A_365 = arith.maximumf %max3A_313, %mul3A_364 : vector<8x128xf32>
      %slice3A_366 = vector.extract_strided_slice %get3A_42 {offsets = [6, 0], sizes = [1, 128], strides = [1, 1]} : vector<8x128xf32> to vector<1x128xf32>
      %max3A_367 = vector.broadcast %slice3A_366 : vector<1x128xf32> to vector<8x128xf32>
      %max3A_368 = arith.maximumf %max3A_367, %get3A_42 : vector<8x128xf32>
      %slice3A_369 = vector.extract_strided_slice %get3A_45 {offsets = [6, 0], sizes = [1, 128], strides = [1, 1]} : vector<8x128xf32> to vector<1x128xf32>
      %max3A_370 = vector.broadcast %slice3A_369 : vector<1x128xf32> to vector<8x128xf32>
      %max3A_371 = arith.maximumf %max3A_370, %get3A_45 : vector<8x128xf32>
      %slice3A_372 = vector.extract_strided_slice %get3A_48 {offsets = [6, 0], sizes = [1, 128], strides = [1, 1]} : vector<8x128xf32> to vector<1x128xf32>
      %min3A_373 = vector.broadcast %slice3A_372 : vector<1x128xf32> to vector<8x128xf32>
      %min3A_374 = arith.minimumf %min3A_373, %get3A_48 : vector<8x128xf32>
      %slice3A_375 = vector.extract_strided_slice %get3A_51 {offsets = [6, 0], sizes = [1, 128], strides = [1, 1]} : vector<8x128xf32> to vector<1x128xf32>
      %min3A_376 = vector.broadcast %slice3A_375 : vector<1x128xf32> to vector<8x128xf32>
      %min3A_377 = arith.minimumf %min3A_376, %get3A_51 : vector<8x128xf32>
      %sub3A_378 = arith.subf %min3A_374, %max3A_368 : vector<8x128xf32>
      %max3A_379 = arith.constant 0.000000e+00 : f32
      %max3A_380 = vector.broadcast %max3A_379 : f32 to vector<8x128xf32>
      %max3A_381 = arith.maximumf %sub3A_378, %max3A_380 : vector<8x128xf32>
      %sub3A_382 = arith.subf %min3A_377, %max3A_371 : vector<8x128xf32>
      %max3A_383 = arith.constant 0.000000e+00 : f32
      %max3A_384 = vector.broadcast %max3A_383 : f32 to vector<8x128xf32>
      %max3A_385 = arith.maximumf %sub3A_382, %max3A_384 : vector<8x128xf32>
      %mul3A_386 = arith.mulf %max3A_381, %max3A_385 : vector<8x128xf32>
      %slice3A_387 = vector.extract_strided_slice %mul3A_54 {offsets = [6, 0], sizes = [1, 128], strides = [1, 1]} : vector<8x128xf32> to vector<1x128xf32>
      %add3A_388 = vector.broadcast %slice3A_387 : vector<1x128xf32> to vector<8x128xf32>
      %add3A_389 = arith.addf %add3A_388, %mul3A_54 : vector<8x128xf32>
      %sub3A_390 = arith.subf %add3A_389, %mul3A_386 : vector<8x128xf32>
      %max3A_391 = arith.constant 9.99999993E-9 : f32
      %max3A_392 = vector.broadcast %max3A_391 : f32 to vector<8x128xf32>
      %max3A_393 = arith.maximumf %sub3A_390, %max3A_392 : vector<8x128xf32>
      %mul3A_394 = arith.constant 5.000000e-01 : f32
      %mul3A_395 = vector.broadcast %mul3A_394 : f32 to vector<8x128xf32>
      %mul3A_396 = arith.mulf %mul3A_395, %max3A_393 : vector<8x128xf32>
      %sub3A_397 = arith.subf %mul3A_386, %mul3A_396 : vector<8x128xf32>
      %mul3A_398 = arith.constant 1.49011612E-8 : f32
      %mul3A_399 = vector.broadcast %mul3A_398 : f32 to vector<8x128xf32>
      %mul3A_400 = arith.mulf %max3A_393, %mul3A_399 : vector<8x128xf32>
      %gt3A_401 = arith.cmpf ogt, %sub3A_397, %mul3A_400 : vector<8x128xf32>
      %gt3A_402 = arith.constant 6 : i32
      %gt3A_403 = vector.broadcast %gt3A_402 : i32 to vector<8x128xi32>
      %gt3A_404 = arith.cmpi sgt, %iota3A_21, %gt3A_403 : vector<8x128xi32>
      %and3A_405 = arith.andi %gt3A_401, %gt3A_404 : vector<8x128xi1>
      %jit3A_406 = arith.constant 1.000000e+00 : f32
      %jit3A_407 = arith.constant 0.000000e+00 : f32
      %broadcast_in_dim3A_408 = vector.broadcast %jit3A_406 : f32 to vector<8x128xf32>
      %broadcast_in_dim3A_409 = vector.broadcast %jit3A_407 : f32 to vector<8x128xf32>
      %select_n3A_410 = arith.select %and3A_405, %broadcast_in_dim3A_408, %broadcast_in_dim3A_409 : vector<8x128xi1>, vector<8x128xf32>
      %slice3A_411 = vector.extract_strided_slice %max3A_365 {offsets = [6, 0], sizes = [1, 128], strides = [1, 1]} : vector<8x128xf32> to vector<1x128xf32>
      %sub3A_412 = arith.constant 1.000000e+00 : f32
      %sub3A_413 = vector.broadcast %sub3A_412 : f32 to vector<1x128xf32>
      %sub3A_414 = arith.subf %sub3A_413, %slice3A_411 : vector<1x128xf32>
      %mul3A_415 = vector.broadcast %sub3A_414 : vector<1x128xf32> to vector<8x128xf32>
      %mul3A_416 = arith.mulf %select_n3A_410, %mul3A_415 : vector<8x128xf32>
      %max3A_417 = arith.maximumf %max3A_365, %mul3A_416 : vector<8x128xf32>
      %slice3A_418 = vector.extract_strided_slice %get3A_42 {offsets = [7, 0], sizes = [1, 128], strides = [1, 1]} : vector<8x128xf32> to vector<1x128xf32>
      %max3A_419 = vector.broadcast %slice3A_418 : vector<1x128xf32> to vector<8x128xf32>
      %max3A_420 = arith.maximumf %max3A_419, %get3A_42 : vector<8x128xf32>
      %slice3A_421 = vector.extract_strided_slice %get3A_45 {offsets = [7, 0], sizes = [1, 128], strides = [1, 1]} : vector<8x128xf32> to vector<1x128xf32>
      %max3A_422 = vector.broadcast %slice3A_421 : vector<1x128xf32> to vector<8x128xf32>
      %max3A_423 = arith.maximumf %max3A_422, %get3A_45 : vector<8x128xf32>
      %slice3A_424 = vector.extract_strided_slice %get3A_48 {offsets = [7, 0], sizes = [1, 128], strides = [1, 1]} : vector<8x128xf32> to vector<1x128xf32>
      %min3A_425 = vector.broadcast %slice3A_424 : vector<1x128xf32> to vector<8x128xf32>
      %min3A_426 = arith.minimumf %min3A_425, %get3A_48 : vector<8x128xf32>
      %slice3A_427 = vector.extract_strided_slice %get3A_51 {offsets = [7, 0], sizes = [1, 128], strides = [1, 1]} : vector<8x128xf32> to vector<1x128xf32>
      %min3A_428 = vector.broadcast %slice3A_427 : vector<1x128xf32> to vector<8x128xf32>
      %min3A_429 = arith.minimumf %min3A_428, %get3A_51 : vector<8x128xf32>
      %sub3A_430 = arith.subf %min3A_426, %max3A_420 : vector<8x128xf32>
      %max3A_431 = arith.constant 0.000000e+00 : f32
      %max3A_432 = vector.broadcast %max3A_431 : f32 to vector<8x128xf32>
      %max3A_433 = arith.maximumf %sub3A_430, %max3A_432 : vector<8x128xf32>
      %sub3A_434 = arith.subf %min3A_429, %max3A_423 : vector<8x128xf32>
      %max3A_435 = arith.constant 0.000000e+00 : f32
      %max3A_436 = vector.broadcast %max3A_435 : f32 to vector<8x128xf32>
      %max3A_437 = arith.maximumf %sub3A_434, %max3A_436 : vector<8x128xf32>
      %mul3A_438 = arith.mulf %max3A_433, %max3A_437 : vector<8x128xf32>
      %slice3A_439 = vector.extract_strided_slice %mul3A_54 {offsets = [7, 0], sizes = [1, 128], strides = [1, 1]} : vector<8x128xf32> to vector<1x128xf32>
      %add3A_440 = vector.broadcast %slice3A_439 : vector<1x128xf32> to vector<8x128xf32>
      %add3A_441 = arith.addf %add3A_440, %mul3A_54 : vector<8x128xf32>
      %sub3A_442 = arith.subf %add3A_441, %mul3A_438 : vector<8x128xf32>
      %max3A_443 = arith.constant 9.99999993E-9 : f32
      %max3A_444 = vector.broadcast %max3A_443 : f32 to vector<8x128xf32>
      %max3A_445 = arith.maximumf %sub3A_442, %max3A_444 : vector<8x128xf32>
      %mul3A_446 = arith.constant 5.000000e-01 : f32
      %mul3A_447 = vector.broadcast %mul3A_446 : f32 to vector<8x128xf32>
      %mul3A_448 = arith.mulf %mul3A_447, %max3A_445 : vector<8x128xf32>
      %sub3A_449 = arith.subf %mul3A_438, %mul3A_448 : vector<8x128xf32>
      %mul3A_450 = arith.constant 1.49011612E-8 : f32
      %mul3A_451 = vector.broadcast %mul3A_450 : f32 to vector<8x128xf32>
      %mul3A_452 = arith.mulf %max3A_445, %mul3A_451 : vector<8x128xf32>
      %gt3A_453 = arith.cmpf ogt, %sub3A_449, %mul3A_452 : vector<8x128xf32>
      %gt3A_454 = arith.constant 7 : i32
      %gt3A_455 = vector.broadcast %gt3A_454 : i32 to vector<8x128xi32>
      %gt3A_456 = arith.cmpi sgt, %iota3A_21, %gt3A_455 : vector<8x128xi32>
      %and3A_457 = arith.andi %gt3A_453, %gt3A_456 : vector<8x128xi1>
      %jit3A_458 = arith.constant 1.000000e+00 : f32
      %jit3A_459 = arith.constant 0.000000e+00 : f32
      %broadcast_in_dim3A_460 = vector.broadcast %jit3A_458 : f32 to vector<8x128xf32>
      %broadcast_in_dim3A_461 = vector.broadcast %jit3A_459 : f32 to vector<8x128xf32>
      %select_n3A_462 = arith.select %and3A_457, %broadcast_in_dim3A_460, %broadcast_in_dim3A_461 : vector<8x128xi1>, vector<8x128xf32>
      %slice3A_463 = vector.extract_strided_slice %max3A_417 {offsets = [7, 0], sizes = [1, 128], strides = [1, 1]} : vector<8x128xf32> to vector<1x128xf32>
      %sub3A_464 = arith.constant 1.000000e+00 : f32
      %sub3A_465 = vector.broadcast %sub3A_464 : f32 to vector<1x128xf32>
      %sub3A_466 = arith.subf %sub3A_465, %slice3A_463 : vector<1x128xf32>
      %mul3A_467 = vector.broadcast %sub3A_466 : vector<1x128xf32> to vector<8x128xf32>
      %mul3A_468 = arith.mulf %select_n3A_462, %mul3A_467 : vector<8x128xf32>
      %max3A_469 = arith.maximumf %max3A_417, %mul3A_468 : vector<8x128xf32>
      %broadcast_in_dim3A_470 = arith.constant 0.000000e+00 : f32
      %broadcast_in_dim3A_471 = vector.broadcast %broadcast_in_dim3A_470 : f32 to vector<256x128xf32>
      %slice3A_472 = vector.extract_strided_slice %get3A_42 {offsets = [0, 0], sizes = [1, 128], strides = [1, 1]} : vector<8x128xf32> to vector<1x128xf32>
      %max3A_473 = vector.broadcast %slice3A_472 : vector<1x128xf32> to vector<256x128xf32>
      %max3A_474 = arith.maximumf %max3A_473, %get3A_1 : vector<256x128xf32>
      %slice3A_475 = vector.extract_strided_slice %get3A_45 {offsets = [0, 0], sizes = [1, 128], strides = [1, 1]} : vector<8x128xf32> to vector<1x128xf32>
      %max3A_476 = vector.broadcast %slice3A_475 : vector<1x128xf32> to vector<256x128xf32>
      %max3A_477 = arith.maximumf %max3A_476, %get3A_4 : vector<256x128xf32>
      %slice3A_478 = vector.extract_strided_slice %get3A_48 {offsets = [0, 0], sizes = [1, 128], strides = [1, 1]} : vector<8x128xf32> to vector<1x128xf32>
      %min3A_479 = vector.broadcast %slice3A_478 : vector<1x128xf32> to vector<256x128xf32>
      %min3A_480 = arith.minimumf %min3A_479, %get3A_7 : vector<256x128xf32>
      %slice3A_481 = vector.extract_strided_slice %get3A_51 {offsets = [0, 0], sizes = [1, 128], strides = [1, 1]} : vector<8x128xf32> to vector<1x128xf32>
      %min3A_482 = vector.broadcast %slice3A_481 : vector<1x128xf32> to vector<256x128xf32>
      %min3A_483 = arith.minimumf %min3A_482, %get3A_10 : vector<256x128xf32>
      %sub3A_484 = arith.subf %min3A_480, %max3A_474 : vector<256x128xf32>
      %max3A_485 = arith.constant 0.000000e+00 : f32
      %max3A_486 = vector.broadcast %max3A_485 : f32 to vector<256x128xf32>
      %max3A_487 = arith.maximumf %sub3A_484, %max3A_486 : vector<256x128xf32>
      %sub3A_488 = arith.subf %min3A_483, %max3A_477 : vector<256x128xf32>
      %max3A_489 = arith.constant 0.000000e+00 : f32
      %max3A_490 = vector.broadcast %max3A_489 : f32 to vector<256x128xf32>
      %max3A_491 = arith.maximumf %sub3A_488, %max3A_490 : vector<256x128xf32>
      %mul3A_492 = arith.mulf %max3A_487, %max3A_491 : vector<256x128xf32>
      %slice3A_493 = vector.extract_strided_slice %mul3A_54 {offsets = [0, 0], sizes = [1, 128], strides = [1, 1]} : vector<8x128xf32> to vector<1x128xf32>
      %add3A_494 = vector.broadcast %slice3A_493 : vector<1x128xf32> to vector<256x128xf32>
      %add3A_495 = arith.addf %add3A_494, %mul3A : vector<256x128xf32>
      %sub3A_496 = arith.subf %add3A_495, %mul3A_492 : vector<256x128xf32>
      %max3A_497 = arith.constant 9.99999993E-9 : f32
      %max3A_498 = vector.broadcast %max3A_497 : f32 to vector<256x128xf32>
      %max3A_499 = arith.maximumf %sub3A_496, %max3A_498 : vector<256x128xf32>
      %mul3A_500 = arith.constant 5.000000e-01 : f32
      %mul3A_501 = vector.broadcast %mul3A_500 : f32 to vector<256x128xf32>
      %mul3A_502 = arith.mulf %mul3A_501, %max3A_499 : vector<256x128xf32>
      %sub3A_503 = arith.subf %mul3A_492, %mul3A_502 : vector<256x128xf32>
      %mul3A_504 = arith.constant 1.49011612E-8 : f32
      %mul3A_505 = vector.broadcast %mul3A_504 : f32 to vector<256x128xf32>
      %mul3A_506 = arith.mulf %max3A_499, %mul3A_505 : vector<256x128xf32>
      %gt3A_507 = arith.cmpf ogt, %sub3A_503, %mul3A_506 : vector<256x128xf32>
      %jit3A_508 = arith.constant 1.000000e+00 : f32
      %jit3A_509 = arith.constant 0.000000e+00 : f32
      %broadcast_in_dim3A_510 = vector.broadcast %jit3A_508 : f32 to vector<256x128xf32>
      %broadcast_in_dim3A_511 = vector.broadcast %jit3A_509 : f32 to vector<256x128xf32>
      %select_n3A_512 = arith.select %gt3A_507, %broadcast_in_dim3A_510, %broadcast_in_dim3A_511 : vector<256x128xi1>, vector<256x128xf32>
      %slice3A_513 = vector.extract_strided_slice %max3A_469 {offsets = [0, 0], sizes = [1, 128], strides = [1, 1]} : vector<8x128xf32> to vector<1x128xf32>
      %sub3A_514 = arith.constant 1.000000e+00 : f32
      %sub3A_515 = vector.broadcast %sub3A_514 : f32 to vector<1x128xf32>
      %sub3A_516 = arith.subf %sub3A_515, %slice3A_513 : vector<1x128xf32>
      %mul3A_517 = vector.broadcast %sub3A_516 : vector<1x128xf32> to vector<256x128xf32>
      %mul3A_518 = arith.mulf %select_n3A_512, %mul3A_517 : vector<256x128xf32>
      %max3A_519 = arith.maximumf %broadcast_in_dim3A_471, %mul3A_518 : vector<256x128xf32>
      %slice3A_520 = vector.extract_strided_slice %get3A_42 {offsets = [1, 0], sizes = [1, 128], strides = [1, 1]} : vector<8x128xf32> to vector<1x128xf32>
      %max3A_521 = vector.broadcast %slice3A_520 : vector<1x128xf32> to vector<256x128xf32>
      %max3A_522 = arith.maximumf %max3A_521, %get3A_1 : vector<256x128xf32>
      %slice3A_523 = vector.extract_strided_slice %get3A_45 {offsets = [1, 0], sizes = [1, 128], strides = [1, 1]} : vector<8x128xf32> to vector<1x128xf32>
      %max3A_524 = vector.broadcast %slice3A_523 : vector<1x128xf32> to vector<256x128xf32>
      %max3A_525 = arith.maximumf %max3A_524, %get3A_4 : vector<256x128xf32>
      %slice3A_526 = vector.extract_strided_slice %get3A_48 {offsets = [1, 0], sizes = [1, 128], strides = [1, 1]} : vector<8x128xf32> to vector<1x128xf32>
      %min3A_527 = vector.broadcast %slice3A_526 : vector<1x128xf32> to vector<256x128xf32>
      %min3A_528 = arith.minimumf %min3A_527, %get3A_7 : vector<256x128xf32>
      %slice3A_529 = vector.extract_strided_slice %get3A_51 {offsets = [1, 0], sizes = [1, 128], strides = [1, 1]} : vector<8x128xf32> to vector<1x128xf32>
      %min3A_530 = vector.broadcast %slice3A_529 : vector<1x128xf32> to vector<256x128xf32>
      %min3A_531 = arith.minimumf %min3A_530, %get3A_10 : vector<256x128xf32>
      %sub3A_532 = arith.subf %min3A_528, %max3A_522 : vector<256x128xf32>
      %max3A_533 = arith.constant 0.000000e+00 : f32
      %max3A_534 = vector.broadcast %max3A_533 : f32 to vector<256x128xf32>
      %max3A_535 = arith.maximumf %sub3A_532, %max3A_534 : vector<256x128xf32>
      %sub3A_536 = arith.subf %min3A_531, %max3A_525 : vector<256x128xf32>
      %max3A_537 = arith.constant 0.000000e+00 : f32
      %max3A_538 = vector.broadcast %max3A_537 : f32 to vector<256x128xf32>
      %max3A_539 = arith.maximumf %sub3A_536, %max3A_538 : vector<256x128xf32>
      %mul3A_540 = arith.mulf %max3A_535, %max3A_539 : vector<256x128xf32>
      %slice3A_541 = vector.extract_strided_slice %mul3A_54 {offsets = [1, 0], sizes = [1, 128], strides = [1, 1]} : vector<8x128xf32> to vector<1x128xf32>
      %add3A_542 = vector.broadcast %slice3A_541 : vector<1x128xf32> to vector<256x128xf32>
      %add3A_543 = arith.addf %add3A_542, %mul3A : vector<256x128xf32>
      %sub3A_544 = arith.subf %add3A_543, %mul3A_540 : vector<256x128xf32>
      %max3A_545 = arith.constant 9.99999993E-9 : f32
      %max3A_546 = vector.broadcast %max3A_545 : f32 to vector<256x128xf32>
      %max3A_547 = arith.maximumf %sub3A_544, %max3A_546 : vector<256x128xf32>
      %mul3A_548 = arith.constant 5.000000e-01 : f32
      %mul3A_549 = vector.broadcast %mul3A_548 : f32 to vector<256x128xf32>
      %mul3A_550 = arith.mulf %mul3A_549, %max3A_547 : vector<256x128xf32>
      %sub3A_551 = arith.subf %mul3A_540, %mul3A_550 : vector<256x128xf32>
      %mul3A_552 = arith.constant 1.49011612E-8 : f32
      %mul3A_553 = vector.broadcast %mul3A_552 : f32 to vector<256x128xf32>
      %mul3A_554 = arith.mulf %max3A_547, %mul3A_553 : vector<256x128xf32>
      %gt3A_555 = arith.cmpf ogt, %sub3A_551, %mul3A_554 : vector<256x128xf32>
      %jit3A_556 = arith.constant 1.000000e+00 : f32
      %jit3A_557 = arith.constant 0.000000e+00 : f32
      %broadcast_in_dim3A_558 = vector.broadcast %jit3A_556 : f32 to vector<256x128xf32>
      %broadcast_in_dim3A_559 = vector.broadcast %jit3A_557 : f32 to vector<256x128xf32>
      %select_n3A_560 = arith.select %gt3A_555, %broadcast_in_dim3A_558, %broadcast_in_dim3A_559 : vector<256x128xi1>, vector<256x128xf32>
      %slice3A_561 = vector.extract_strided_slice %max3A_469 {offsets = [1, 0], sizes = [1, 128], strides = [1, 1]} : vector<8x128xf32> to vector<1x128xf32>
      %sub3A_562 = arith.constant 1.000000e+00 : f32
      %sub3A_563 = vector.broadcast %sub3A_562 : f32 to vector<1x128xf32>
      %sub3A_564 = arith.subf %sub3A_563, %slice3A_561 : vector<1x128xf32>
      %mul3A_565 = vector.broadcast %sub3A_564 : vector<1x128xf32> to vector<256x128xf32>
      %mul3A_566 = arith.mulf %select_n3A_560, %mul3A_565 : vector<256x128xf32>
      %max3A_567 = arith.maximumf %max3A_519, %mul3A_566 : vector<256x128xf32>
      %slice3A_568 = vector.extract_strided_slice %get3A_42 {offsets = [2, 0], sizes = [1, 128], strides = [1, 1]} : vector<8x128xf32> to vector<1x128xf32>
      %max3A_569 = vector.broadcast %slice3A_568 : vector<1x128xf32> to vector<256x128xf32>
      %max3A_570 = arith.maximumf %max3A_569, %get3A_1 : vector<256x128xf32>
      %slice3A_571 = vector.extract_strided_slice %get3A_45 {offsets = [2, 0], sizes = [1, 128], strides = [1, 1]} : vector<8x128xf32> to vector<1x128xf32>
      %max3A_572 = vector.broadcast %slice3A_571 : vector<1x128xf32> to vector<256x128xf32>
      %max3A_573 = arith.maximumf %max3A_572, %get3A_4 : vector<256x128xf32>
      %slice3A_574 = vector.extract_strided_slice %get3A_48 {offsets = [2, 0], sizes = [1, 128], strides = [1, 1]} : vector<8x128xf32> to vector<1x128xf32>
      %min3A_575 = vector.broadcast %slice3A_574 : vector<1x128xf32> to vector<256x128xf32>
      %min3A_576 = arith.minimumf %min3A_575, %get3A_7 : vector<256x128xf32>
      %slice3A_577 = vector.extract_strided_slice %get3A_51 {offsets = [2, 0], sizes = [1, 128], strides = [1, 1]} : vector<8x128xf32> to vector<1x128xf32>
      %min3A_578 = vector.broadcast %slice3A_577 : vector<1x128xf32> to vector<256x128xf32>
      %min3A_579 = arith.minimumf %min3A_578, %get3A_10 : vector<256x128xf32>
      %sub3A_580 = arith.subf %min3A_576, %max3A_570 : vector<256x128xf32>
      %max3A_581 = arith.constant 0.000000e+00 : f32
      %max3A_582 = vector.broadcast %max3A_581 : f32 to vector<256x128xf32>
      %max3A_583 = arith.maximumf %sub3A_580, %max3A_582 : vector<256x128xf32>
      %sub3A_584 = arith.subf %min3A_579, %max3A_573 : vector<256x128xf32>
      %max3A_585 = arith.constant 0.000000e+00 : f32
      %max3A_586 = vector.broadcast %max3A_585 : f32 to vector<256x128xf32>
      %max3A_587 = arith.maximumf %sub3A_584, %max3A_586 : vector<256x128xf32>
      %mul3A_588 = arith.mulf %max3A_583, %max3A_587 : vector<256x128xf32>
      %slice3A_589 = vector.extract_strided_slice %mul3A_54 {offsets = [2, 0], sizes = [1, 128], strides = [1, 1]} : vector<8x128xf32> to vector<1x128xf32>
      %add3A_590 = vector.broadcast %slice3A_589 : vector<1x128xf32> to vector<256x128xf32>
      %add3A_591 = arith.addf %add3A_590, %mul3A : vector<256x128xf32>
      %sub3A_592 = arith.subf %add3A_591, %mul3A_588 : vector<256x128xf32>
      %max3A_593 = arith.constant 9.99999993E-9 : f32
      %max3A_594 = vector.broadcast %max3A_593 : f32 to vector<256x128xf32>
      %max3A_595 = arith.maximumf %sub3A_592, %max3A_594 : vector<256x128xf32>
      %mul3A_596 = arith.constant 5.000000e-01 : f32
      %mul3A_597 = vector.broadcast %mul3A_596 : f32 to vector<256x128xf32>
      %mul3A_598 = arith.mulf %mul3A_597, %max3A_595 : vector<256x128xf32>
      %sub3A_599 = arith.subf %mul3A_588, %mul3A_598 : vector<256x128xf32>
      %mul3A_600 = arith.constant 1.49011612E-8 : f32
      %mul3A_601 = vector.broadcast %mul3A_600 : f32 to vector<256x128xf32>
      %mul3A_602 = arith.mulf %max3A_595, %mul3A_601 : vector<256x128xf32>
      %gt3A_603 = arith.cmpf ogt, %sub3A_599, %mul3A_602 : vector<256x128xf32>
      %jit3A_604 = arith.constant 1.000000e+00 : f32
      %jit3A_605 = arith.constant 0.000000e+00 : f32
      %broadcast_in_dim3A_606 = vector.broadcast %jit3A_604 : f32 to vector<256x128xf32>
      %broadcast_in_dim3A_607 = vector.broadcast %jit3A_605 : f32 to vector<256x128xf32>
      %select_n3A_608 = arith.select %gt3A_603, %broadcast_in_dim3A_606, %broadcast_in_dim3A_607 : vector<256x128xi1>, vector<256x128xf32>
      %slice3A_609 = vector.extract_strided_slice %max3A_469 {offsets = [2, 0], sizes = [1, 128], strides = [1, 1]} : vector<8x128xf32> to vector<1x128xf32>
      %sub3A_610 = arith.constant 1.000000e+00 : f32
      %sub3A_611 = vector.broadcast %sub3A_610 : f32 to vector<1x128xf32>
      %sub3A_612 = arith.subf %sub3A_611, %slice3A_609 : vector<1x128xf32>
      %mul3A_613 = vector.broadcast %sub3A_612 : vector<1x128xf32> to vector<256x128xf32>
      %mul3A_614 = arith.mulf %select_n3A_608, %mul3A_613 : vector<256x128xf32>
      %max3A_615 = arith.maximumf %max3A_567, %mul3A_614 : vector<256x128xf32>
      %slice3A_616 = vector.extract_strided_slice %get3A_42 {offsets = [3, 0], sizes = [1, 128], strides = [1, 1]} : vector<8x128xf32> to vector<1x128xf32>
      %max3A_617 = vector.broadcast %slice3A_616 : vector<1x128xf32> to vector<256x128xf32>
      %max3A_618 = arith.maximumf %max3A_617, %get3A_1 : vector<256x128xf32>
      %slice3A_619 = vector.extract_strided_slice %get3A_45 {offsets = [3, 0], sizes = [1, 128], strides = [1, 1]} : vector<8x128xf32> to vector<1x128xf32>
      %max3A_620 = vector.broadcast %slice3A_619 : vector<1x128xf32> to vector<256x128xf32>
      %max3A_621 = arith.maximumf %max3A_620, %get3A_4 : vector<256x128xf32>
      %slice3A_622 = vector.extract_strided_slice %get3A_48 {offsets = [3, 0], sizes = [1, 128], strides = [1, 1]} : vector<8x128xf32> to vector<1x128xf32>
      %min3A_623 = vector.broadcast %slice3A_622 : vector<1x128xf32> to vector<256x128xf32>
      %min3A_624 = arith.minimumf %min3A_623, %get3A_7 : vector<256x128xf32>
      %slice3A_625 = vector.extract_strided_slice %get3A_51 {offsets = [3, 0], sizes = [1, 128], strides = [1, 1]} : vector<8x128xf32> to vector<1x128xf32>
      %min3A_626 = vector.broadcast %slice3A_625 : vector<1x128xf32> to vector<256x128xf32>
      %min3A_627 = arith.minimumf %min3A_626, %get3A_10 : vector<256x128xf32>
      %sub3A_628 = arith.subf %min3A_624, %max3A_618 : vector<256x128xf32>
      %max3A_629 = arith.constant 0.000000e+00 : f32
      %max3A_630 = vector.broadcast %max3A_629 : f32 to vector<256x128xf32>
      %max3A_631 = arith.maximumf %sub3A_628, %max3A_630 : vector<256x128xf32>
      %sub3A_632 = arith.subf %min3A_627, %max3A_621 : vector<256x128xf32>
      %max3A_633 = arith.constant 0.000000e+00 : f32
      %max3A_634 = vector.broadcast %max3A_633 : f32 to vector<256x128xf32>
      %max3A_635 = arith.maximumf %sub3A_632, %max3A_634 : vector<256x128xf32>
      %mul3A_636 = arith.mulf %max3A_631, %max3A_635 : vector<256x128xf32>
      %slice3A_637 = vector.extract_strided_slice %mul3A_54 {offsets = [3, 0], sizes = [1, 128], strides = [1, 1]} : vector<8x128xf32> to vector<1x128xf32>
      %add3A_638 = vector.broadcast %slice3A_637 : vector<1x128xf32> to vector<256x128xf32>
      %add3A_639 = arith.addf %add3A_638, %mul3A : vector<256x128xf32>
      %sub3A_640 = arith.subf %add3A_639, %mul3A_636 : vector<256x128xf32>
      %max3A_641 = arith.constant 9.99999993E-9 : f32
      %max3A_642 = vector.broadcast %max3A_641 : f32 to vector<256x128xf32>
      %max3A_643 = arith.maximumf %sub3A_640, %max3A_642 : vector<256x128xf32>
      %mul3A_644 = arith.constant 5.000000e-01 : f32
      %mul3A_645 = vector.broadcast %mul3A_644 : f32 to vector<256x128xf32>
      %mul3A_646 = arith.mulf %mul3A_645, %max3A_643 : vector<256x128xf32>
      %sub3A_647 = arith.subf %mul3A_636, %mul3A_646 : vector<256x128xf32>
      %mul3A_648 = arith.constant 1.49011612E-8 : f32
      %mul3A_649 = vector.broadcast %mul3A_648 : f32 to vector<256x128xf32>
      %mul3A_650 = arith.mulf %max3A_643, %mul3A_649 : vector<256x128xf32>
      %gt3A_651 = arith.cmpf ogt, %sub3A_647, %mul3A_650 : vector<256x128xf32>
      %jit3A_652 = arith.constant 1.000000e+00 : f32
      %jit3A_653 = arith.constant 0.000000e+00 : f32
      %broadcast_in_dim3A_654 = vector.broadcast %jit3A_652 : f32 to vector<256x128xf32>
      %broadcast_in_dim3A_655 = vector.broadcast %jit3A_653 : f32 to vector<256x128xf32>
      %select_n3A_656 = arith.select %gt3A_651, %broadcast_in_dim3A_654, %broadcast_in_dim3A_655 : vector<256x128xi1>, vector<256x128xf32>
      %slice3A_657 = vector.extract_strided_slice %max3A_469 {offsets = [3, 0], sizes = [1, 128], strides = [1, 1]} : vector<8x128xf32> to vector<1x128xf32>
      %sub3A_658 = arith.constant 1.000000e+00 : f32
      %sub3A_659 = vector.broadcast %sub3A_658 : f32 to vector<1x128xf32>
      %sub3A_660 = arith.subf %sub3A_659, %slice3A_657 : vector<1x128xf32>
      %mul3A_661 = vector.broadcast %sub3A_660 : vector<1x128xf32> to vector<256x128xf32>
      %mul3A_662 = arith.mulf %select_n3A_656, %mul3A_661 : vector<256x128xf32>
      %max3A_663 = arith.maximumf %max3A_615, %mul3A_662 : vector<256x128xf32>
      %slice3A_664 = vector.extract_strided_slice %get3A_42 {offsets = [4, 0], sizes = [1, 128], strides = [1, 1]} : vector<8x128xf32> to vector<1x128xf32>
      %max3A_665 = vector.broadcast %slice3A_664 : vector<1x128xf32> to vector<256x128xf32>
      %max3A_666 = arith.maximumf %max3A_665, %get3A_1 : vector<256x128xf32>
      %slice3A_667 = vector.extract_strided_slice %get3A_45 {offsets = [4, 0], sizes = [1, 128], strides = [1, 1]} : vector<8x128xf32> to vector<1x128xf32>
      %max3A_668 = vector.broadcast %slice3A_667 : vector<1x128xf32> to vector<256x128xf32>
      %max3A_669 = arith.maximumf %max3A_668, %get3A_4 : vector<256x128xf32>
      %slice3A_670 = vector.extract_strided_slice %get3A_48 {offsets = [4, 0], sizes = [1, 128], strides = [1, 1]} : vector<8x128xf32> to vector<1x128xf32>
      %min3A_671 = vector.broadcast %slice3A_670 : vector<1x128xf32> to vector<256x128xf32>
      %min3A_672 = arith.minimumf %min3A_671, %get3A_7 : vector<256x128xf32>
      %slice3A_673 = vector.extract_strided_slice %get3A_51 {offsets = [4, 0], sizes = [1, 128], strides = [1, 1]} : vector<8x128xf32> to vector<1x128xf32>
      %min3A_674 = vector.broadcast %slice3A_673 : vector<1x128xf32> to vector<256x128xf32>
      %min3A_675 = arith.minimumf %min3A_674, %get3A_10 : vector<256x128xf32>
      %sub3A_676 = arith.subf %min3A_672, %max3A_666 : vector<256x128xf32>
      %max3A_677 = arith.constant 0.000000e+00 : f32
      %max3A_678 = vector.broadcast %max3A_677 : f32 to vector<256x128xf32>
      %max3A_679 = arith.maximumf %sub3A_676, %max3A_678 : vector<256x128xf32>
      %sub3A_680 = arith.subf %min3A_675, %max3A_669 : vector<256x128xf32>
      %max3A_681 = arith.constant 0.000000e+00 : f32
      %max3A_682 = vector.broadcast %max3A_681 : f32 to vector<256x128xf32>
      %max3A_683 = arith.maximumf %sub3A_680, %max3A_682 : vector<256x128xf32>
      %mul3A_684 = arith.mulf %max3A_679, %max3A_683 : vector<256x128xf32>
      %slice3A_685 = vector.extract_strided_slice %mul3A_54 {offsets = [4, 0], sizes = [1, 128], strides = [1, 1]} : vector<8x128xf32> to vector<1x128xf32>
      %add3A_686 = vector.broadcast %slice3A_685 : vector<1x128xf32> to vector<256x128xf32>
      %add3A_687 = arith.addf %add3A_686, %mul3A : vector<256x128xf32>
      %sub3A_688 = arith.subf %add3A_687, %mul3A_684 : vector<256x128xf32>
      %max3A_689 = arith.constant 9.99999993E-9 : f32
      %max3A_690 = vector.broadcast %max3A_689 : f32 to vector<256x128xf32>
      %max3A_691 = arith.maximumf %sub3A_688, %max3A_690 : vector<256x128xf32>
      %mul3A_692 = arith.constant 5.000000e-01 : f32
      %mul3A_693 = vector.broadcast %mul3A_692 : f32 to vector<256x128xf32>
      %mul3A_694 = arith.mulf %mul3A_693, %max3A_691 : vector<256x128xf32>
      %sub3A_695 = arith.subf %mul3A_684, %mul3A_694 : vector<256x128xf32>
      %mul3A_696 = arith.constant 1.49011612E-8 : f32
      %mul3A_697 = vector.broadcast %mul3A_696 : f32 to vector<256x128xf32>
      %mul3A_698 = arith.mulf %max3A_691, %mul3A_697 : vector<256x128xf32>
      %gt3A_699 = arith.cmpf ogt, %sub3A_695, %mul3A_698 : vector<256x128xf32>
      %jit3A_700 = arith.constant 1.000000e+00 : f32
      %jit3A_701 = arith.constant 0.000000e+00 : f32
      %broadcast_in_dim3A_702 = vector.broadcast %jit3A_700 : f32 to vector<256x128xf32>
      %broadcast_in_dim3A_703 = vector.broadcast %jit3A_701 : f32 to vector<256x128xf32>
      %select_n3A_704 = arith.select %gt3A_699, %broadcast_in_dim3A_702, %broadcast_in_dim3A_703 : vector<256x128xi1>, vector<256x128xf32>
      %slice3A_705 = vector.extract_strided_slice %max3A_469 {offsets = [4, 0], sizes = [1, 128], strides = [1, 1]} : vector<8x128xf32> to vector<1x128xf32>
      %sub3A_706 = arith.constant 1.000000e+00 : f32
      %sub3A_707 = vector.broadcast %sub3A_706 : f32 to vector<1x128xf32>
      %sub3A_708 = arith.subf %sub3A_707, %slice3A_705 : vector<1x128xf32>
      %mul3A_709 = vector.broadcast %sub3A_708 : vector<1x128xf32> to vector<256x128xf32>
      %mul3A_710 = arith.mulf %select_n3A_704, %mul3A_709 : vector<256x128xf32>
      %max3A_711 = arith.maximumf %max3A_663, %mul3A_710 : vector<256x128xf32>
      %slice3A_712 = vector.extract_strided_slice %get3A_42 {offsets = [5, 0], sizes = [1, 128], strides = [1, 1]} : vector<8x128xf32> to vector<1x128xf32>
      %max3A_713 = vector.broadcast %slice3A_712 : vector<1x128xf32> to vector<256x128xf32>
      %max3A_714 = arith.maximumf %max3A_713, %get3A_1 : vector<256x128xf32>
      %slice3A_715 = vector.extract_strided_slice %get3A_45 {offsets = [5, 0], sizes = [1, 128], strides = [1, 1]} : vector<8x128xf32> to vector<1x128xf32>
      %max3A_716 = vector.broadcast %slice3A_715 : vector<1x128xf32> to vector<256x128xf32>
      %max3A_717 = arith.maximumf %max3A_716, %get3A_4 : vector<256x128xf32>
      %slice3A_718 = vector.extract_strided_slice %get3A_48 {offsets = [5, 0], sizes = [1, 128], strides = [1, 1]} : vector<8x128xf32> to vector<1x128xf32>
      %min3A_719 = vector.broadcast %slice3A_718 : vector<1x128xf32> to vector<256x128xf32>
      %min3A_720 = arith.minimumf %min3A_719, %get3A_7 : vector<256x128xf32>
      %slice3A_721 = vector.extract_strided_slice %get3A_51 {offsets = [5, 0], sizes = [1, 128], strides = [1, 1]} : vector<8x128xf32> to vector<1x128xf32>
      %min3A_722 = vector.broadcast %slice3A_721 : vector<1x128xf32> to vector<256x128xf32>
      %min3A_723 = arith.minimumf %min3A_722, %get3A_10 : vector<256x128xf32>
      %sub3A_724 = arith.subf %min3A_720, %max3A_714 : vector<256x128xf32>
      %max3A_725 = arith.constant 0.000000e+00 : f32
      %max3A_726 = vector.broadcast %max3A_725 : f32 to vector<256x128xf32>
      %max3A_727 = arith.maximumf %sub3A_724, %max3A_726 : vector<256x128xf32>
      %sub3A_728 = arith.subf %min3A_723, %max3A_717 : vector<256x128xf32>
      %max3A_729 = arith.constant 0.000000e+00 : f32
      %max3A_730 = vector.broadcast %max3A_729 : f32 to vector<256x128xf32>
      %max3A_731 = arith.maximumf %sub3A_728, %max3A_730 : vector<256x128xf32>
      %mul3A_732 = arith.mulf %max3A_727, %max3A_731 : vector<256x128xf32>
      %slice3A_733 = vector.extract_strided_slice %mul3A_54 {offsets = [5, 0], sizes = [1, 128], strides = [1, 1]} : vector<8x128xf32> to vector<1x128xf32>
      %add3A_734 = vector.broadcast %slice3A_733 : vector<1x128xf32> to vector<256x128xf32>
      %add3A_735 = arith.addf %add3A_734, %mul3A : vector<256x128xf32>
      %sub3A_736 = arith.subf %add3A_735, %mul3A_732 : vector<256x128xf32>
      %max3A_737 = arith.constant 9.99999993E-9 : f32
      %max3A_738 = vector.broadcast %max3A_737 : f32 to vector<256x128xf32>
      %max3A_739 = arith.maximumf %sub3A_736, %max3A_738 : vector<256x128xf32>
      %mul3A_740 = arith.constant 5.000000e-01 : f32
      %mul3A_741 = vector.broadcast %mul3A_740 : f32 to vector<256x128xf32>
      %mul3A_742 = arith.mulf %mul3A_741, %max3A_739 : vector<256x128xf32>
      %sub3A_743 = arith.subf %mul3A_732, %mul3A_742 : vector<256x128xf32>
      %mul3A_744 = arith.constant 1.49011612E-8 : f32
      %mul3A_745 = vector.broadcast %mul3A_744 : f32 to vector<256x128xf32>
      %mul3A_746 = arith.mulf %max3A_739, %mul3A_745 : vector<256x128xf32>
      %gt3A_747 = arith.cmpf ogt, %sub3A_743, %mul3A_746 : vector<256x128xf32>
      %jit3A_748 = arith.constant 1.000000e+00 : f32
      %jit3A_749 = arith.constant 0.000000e+00 : f32
      %broadcast_in_dim3A_750 = vector.broadcast %jit3A_748 : f32 to vector<256x128xf32>
      %broadcast_in_dim3A_751 = vector.broadcast %jit3A_749 : f32 to vector<256x128xf32>
      %select_n3A_752 = arith.select %gt3A_747, %broadcast_in_dim3A_750, %broadcast_in_dim3A_751 : vector<256x128xi1>, vector<256x128xf32>
      %slice3A_753 = vector.extract_strided_slice %max3A_469 {offsets = [5, 0], sizes = [1, 128], strides = [1, 1]} : vector<8x128xf32> to vector<1x128xf32>
      %sub3A_754 = arith.constant 1.000000e+00 : f32
      %sub3A_755 = vector.broadcast %sub3A_754 : f32 to vector<1x128xf32>
      %sub3A_756 = arith.subf %sub3A_755, %slice3A_753 : vector<1x128xf32>
      %mul3A_757 = vector.broadcast %sub3A_756 : vector<1x128xf32> to vector<256x128xf32>
      %mul3A_758 = arith.mulf %select_n3A_752, %mul3A_757 : vector<256x128xf32>
      %max3A_759 = arith.maximumf %max3A_711, %mul3A_758 : vector<256x128xf32>
      %slice3A_760 = vector.extract_strided_slice %get3A_42 {offsets = [6, 0], sizes = [1, 128], strides = [1, 1]} : vector<8x128xf32> to vector<1x128xf32>
      %max3A_761 = vector.broadcast %slice3A_760 : vector<1x128xf32> to vector<256x128xf32>
      %max3A_762 = arith.maximumf %max3A_761, %get3A_1 : vector<256x128xf32>
      %slice3A_763 = vector.extract_strided_slice %get3A_45 {offsets = [6, 0], sizes = [1, 128], strides = [1, 1]} : vector<8x128xf32> to vector<1x128xf32>
      %max3A_764 = vector.broadcast %slice3A_763 : vector<1x128xf32> to vector<256x128xf32>
      %max3A_765 = arith.maximumf %max3A_764, %get3A_4 : vector<256x128xf32>
      %slice3A_766 = vector.extract_strided_slice %get3A_48 {offsets = [6, 0], sizes = [1, 128], strides = [1, 1]} : vector<8x128xf32> to vector<1x128xf32>
      %min3A_767 = vector.broadcast %slice3A_766 : vector<1x128xf32> to vector<256x128xf32>
      %min3A_768 = arith.minimumf %min3A_767, %get3A_7 : vector<256x128xf32>
      %slice3A_769 = vector.extract_strided_slice %get3A_51 {offsets = [6, 0], sizes = [1, 128], strides = [1, 1]} : vector<8x128xf32> to vector<1x128xf32>
      %min3A_770 = vector.broadcast %slice3A_769 : vector<1x128xf32> to vector<256x128xf32>
      %min3A_771 = arith.minimumf %min3A_770, %get3A_10 : vector<256x128xf32>
      %sub3A_772 = arith.subf %min3A_768, %max3A_762 : vector<256x128xf32>
      %max3A_773 = arith.constant 0.000000e+00 : f32
      %max3A_774 = vector.broadcast %max3A_773 : f32 to vector<256x128xf32>
      %max3A_775 = arith.maximumf %sub3A_772, %max3A_774 : vector<256x128xf32>
      %sub3A_776 = arith.subf %min3A_771, %max3A_765 : vector<256x128xf32>
      %max3A_777 = arith.constant 0.000000e+00 : f32
      %max3A_778 = vector.broadcast %max3A_777 : f32 to vector<256x128xf32>
      %max3A_779 = arith.maximumf %sub3A_776, %max3A_778 : vector<256x128xf32>
      %mul3A_780 = arith.mulf %max3A_775, %max3A_779 : vector<256x128xf32>
      %slice3A_781 = vector.extract_strided_slice %mul3A_54 {offsets = [6, 0], sizes = [1, 128], strides = [1, 1]} : vector<8x128xf32> to vector<1x128xf32>
      %add3A_782 = vector.broadcast %slice3A_781 : vector<1x128xf32> to vector<256x128xf32>
      %add3A_783 = arith.addf %add3A_782, %mul3A : vector<256x128xf32>
      %sub3A_784 = arith.subf %add3A_783, %mul3A_780 : vector<256x128xf32>
      %max3A_785 = arith.constant 9.99999993E-9 : f32
      %max3A_786 = vector.broadcast %max3A_785 : f32 to vector<256x128xf32>
      %max3A_787 = arith.maximumf %sub3A_784, %max3A_786 : vector<256x128xf32>
      %mul3A_788 = arith.constant 5.000000e-01 : f32
      %mul3A_789 = vector.broadcast %mul3A_788 : f32 to vector<256x128xf32>
      %mul3A_790 = arith.mulf %mul3A_789, %max3A_787 : vector<256x128xf32>
      %sub3A_791 = arith.subf %mul3A_780, %mul3A_790 : vector<256x128xf32>
      %mul3A_792 = arith.constant 1.49011612E-8 : f32
      %mul3A_793 = vector.broadcast %mul3A_792 : f32 to vector<256x128xf32>
      %mul3A_794 = arith.mulf %max3A_787, %mul3A_793 : vector<256x128xf32>
      %gt3A_795 = arith.cmpf ogt, %sub3A_791, %mul3A_794 : vector<256x128xf32>
      %jit3A_796 = arith.constant 1.000000e+00 : f32
      %jit3A_797 = arith.constant 0.000000e+00 : f32
      %broadcast_in_dim3A_798 = vector.broadcast %jit3A_796 : f32 to vector<256x128xf32>
      %broadcast_in_dim3A_799 = vector.broadcast %jit3A_797 : f32 to vector<256x128xf32>
      %select_n3A_800 = arith.select %gt3A_795, %broadcast_in_dim3A_798, %broadcast_in_dim3A_799 : vector<256x128xi1>, vector<256x128xf32>
      %slice3A_801 = vector.extract_strided_slice %max3A_469 {offsets = [6, 0], sizes = [1, 128], strides = [1, 1]} : vector<8x128xf32> to vector<1x128xf32>
      %sub3A_802 = arith.constant 1.000000e+00 : f32
      %sub3A_803 = vector.broadcast %sub3A_802 : f32 to vector<1x128xf32>
      %sub3A_804 = arith.subf %sub3A_803, %slice3A_801 : vector<1x128xf32>
      %mul3A_805 = vector.broadcast %sub3A_804 : vector<1x128xf32> to vector<256x128xf32>
      %mul3A_806 = arith.mulf %select_n3A_800, %mul3A_805 : vector<256x128xf32>
      %max3A_807 = arith.maximumf %max3A_759, %mul3A_806 : vector<256x128xf32>
      %slice3A_808 = vector.extract_strided_slice %get3A_42 {offsets = [7, 0], sizes = [1, 128], strides = [1, 1]} : vector<8x128xf32> to vector<1x128xf32>
      %max3A_809 = vector.broadcast %slice3A_808 : vector<1x128xf32> to vector<256x128xf32>
      %max3A_810 = arith.maximumf %max3A_809, %get3A_1 : vector<256x128xf32>
      %slice3A_811 = vector.extract_strided_slice %get3A_45 {offsets = [7, 0], sizes = [1, 128], strides = [1, 1]} : vector<8x128xf32> to vector<1x128xf32>
      %max3A_812 = vector.broadcast %slice3A_811 : vector<1x128xf32> to vector<256x128xf32>
      %max3A_813 = arith.maximumf %max3A_812, %get3A_4 : vector<256x128xf32>
      %slice3A_814 = vector.extract_strided_slice %get3A_48 {offsets = [7, 0], sizes = [1, 128], strides = [1, 1]} : vector<8x128xf32> to vector<1x128xf32>
      %min3A_815 = vector.broadcast %slice3A_814 : vector<1x128xf32> to vector<256x128xf32>
      %min3A_816 = arith.minimumf %min3A_815, %get3A_7 : vector<256x128xf32>
      %slice3A_817 = vector.extract_strided_slice %get3A_51 {offsets = [7, 0], sizes = [1, 128], strides = [1, 1]} : vector<8x128xf32> to vector<1x128xf32>
      %min3A_818 = vector.broadcast %slice3A_817 : vector<1x128xf32> to vector<256x128xf32>
      %min3A_819 = arith.minimumf %min3A_818, %get3A_10 : vector<256x128xf32>
      %sub3A_820 = arith.subf %min3A_816, %max3A_810 : vector<256x128xf32>
      %max3A_821 = arith.constant 0.000000e+00 : f32
      %max3A_822 = vector.broadcast %max3A_821 : f32 to vector<256x128xf32>
      %max3A_823 = arith.maximumf %sub3A_820, %max3A_822 : vector<256x128xf32>
      %sub3A_824 = arith.subf %min3A_819, %max3A_813 : vector<256x128xf32>
      %max3A_825 = arith.constant 0.000000e+00 : f32
      %max3A_826 = vector.broadcast %max3A_825 : f32 to vector<256x128xf32>
      %max3A_827 = arith.maximumf %sub3A_824, %max3A_826 : vector<256x128xf32>
      %mul3A_828 = arith.mulf %max3A_823, %max3A_827 : vector<256x128xf32>
      %slice3A_829 = vector.extract_strided_slice %mul3A_54 {offsets = [7, 0], sizes = [1, 128], strides = [1, 1]} : vector<8x128xf32> to vector<1x128xf32>
      %add3A_830 = vector.broadcast %slice3A_829 : vector<1x128xf32> to vector<256x128xf32>
      %add3A_831 = arith.addf %add3A_830, %mul3A : vector<256x128xf32>
      %sub3A_832 = arith.subf %add3A_831, %mul3A_828 : vector<256x128xf32>
      %max3A_833 = arith.constant 9.99999993E-9 : f32
      %max3A_834 = vector.broadcast %max3A_833 : f32 to vector<256x128xf32>
      %max3A_835 = arith.maximumf %sub3A_832, %max3A_834 : vector<256x128xf32>
      %mul3A_836 = arith.constant 5.000000e-01 : f32
      %mul3A_837 = vector.broadcast %mul3A_836 : f32 to vector<256x128xf32>
      %mul3A_838 = arith.mulf %mul3A_837, %max3A_835 : vector<256x128xf32>
      %sub3A_839 = arith.subf %mul3A_828, %mul3A_838 : vector<256x128xf32>
      %mul3A_840 = arith.constant 1.49011612E-8 : f32
      %mul3A_841 = vector.broadcast %mul3A_840 : f32 to vector<256x128xf32>
      %mul3A_842 = arith.mulf %max3A_835, %mul3A_841 : vector<256x128xf32>
      %gt3A_843 = arith.cmpf ogt, %sub3A_839, %mul3A_842 : vector<256x128xf32>
      %jit3A_844 = arith.constant 1.000000e+00 : f32
      %jit3A_845 = arith.constant 0.000000e+00 : f32
      %broadcast_in_dim3A_846 = vector.broadcast %jit3A_844 : f32 to vector<256x128xf32>
      %broadcast_in_dim3A_847 = vector.broadcast %jit3A_845 : f32 to vector<256x128xf32>
      %select_n3A_848 = arith.select %gt3A_843, %broadcast_in_dim3A_846, %broadcast_in_dim3A_847 : vector<256x128xi1>, vector<256x128xf32>
      %slice3A_849 = vector.extract_strided_slice %max3A_469 {offsets = [7, 0], sizes = [1, 128], strides = [1, 1]} : vector<8x128xf32> to vector<1x128xf32>
      %sub3A_850 = arith.constant 1.000000e+00 : f32
      %sub3A_851 = vector.broadcast %sub3A_850 : f32 to vector<1x128xf32>
      %sub3A_852 = arith.subf %sub3A_851, %slice3A_849 : vector<1x128xf32>
      %mul3A_853 = vector.broadcast %sub3A_852 : vector<1x128xf32> to vector<256x128xf32>
      %mul3A_854 = arith.mulf %select_n3A_848, %mul3A_853 : vector<256x128xf32>
      %max3A_855 = arith.maximumf %max3A_807, %mul3A_854 : vector<256x128xf32>
      %get3A_856 = arith.constant 0 : index
      %get3A_857 = arith.constant 0 : index
      %get3A_858 = vector.load %arg7[%get3A_856, %get3A_857] : memref<256x128xf32, #tpu.memory_space<vmem>>, vector<256x128xf32>
      %add3A_859 = arith.constant 8 : i32
      %add3A_860 = arith.addi %mul3A_39, %add3A_859 : i32
      %ge3A = vector.broadcast %add3A_860 : i32 to vector<256x128xi32>
      %ge3A_861 = arith.cmpi sge, %iota3A, %ge3A : vector<256x128xi32>
      %jit3A_862 = arith.constant 0.000000e+00 : f32
      %broadcast_in_dim3A_863 = vector.broadcast %jit3A_862 : f32 to vector<256x128xf32>
      %select_n3A_864 = arith.select %ge3A_861, %max3A_855, %broadcast_in_dim3A_863 : vector<256x128xi1>, vector<256x128xf32>
      %max3A_865 = arith.maximumf %get3A_858, %select_n3A_864 : vector<256x128xf32>
      %swap3A_866 = arith.constant 0 : index
      %swap3A_867 = arith.constant 0 : index
      %swap3A_868 = vector.load %arg7[%swap3A_866, %swap3A_867] : memref<256x128xf32, #tpu.memory_space<vmem>>, vector<256x128xf32>
      tpu.vector_store %arg7[%swap3A_866, %swap3A_867], %max3A_865 {strides = array<i32>} : memref<256x128xf32, #tpu.memory_space<vmem>>, vector<256x128xf32>,
      %swap3A_869 = arith.index_cast %mul3A_39 : i32 to index
      %swap3A_870 = arith.constant 0 : index
      %swap3A_871 = vector.load %arg7[%swap3A_869, %swap3A_870] : memref<256x128xf32, #tpu.memory_space<vmem>>, vector<8x128xf32>
      tpu.vector_store %arg7[%swap3A_869, %swap3A_870], %max3A_469 {strides = array<i32>} : memref<256x128xf32, #tpu.memory_space<vmem>>, vector<8x128xf32>,
    }
    %scan3A_25 = arith.constant 32 : i32
    %get3A_26 = arith.constant 0 : index
    %get3A_27 = arith.constant 0 : index
    %get3A_28 = vector.load %arg7[%get3A_26, %get3A_27] : memref<256x128xf32, #tpu.memory_space<vmem>>, vector<256x128xf32>
    %lt3A = arith.constant 5.000000e-01 : f32
    %lt3A_29 = vector.broadcast %lt3A : f32 to vector<256x128xf32>
    %lt3A_30 = arith.cmpf olt, %get3A_28, %lt3A_29 : vector<256x128xf32>
    %and3A = arith.andi %gt3A_16, %lt3A_30 : vector<256x128xi1>
    %jit3A_31 = arith.constant -1.000000e+00 : f32
    %broadcast_in_dim3A_32 = vector.broadcast %jit3A_31 : f32 to vector<256x128xf32>
    %select_n3A_33 = arith.select %and3A, %get3A_13, %broadcast_in_dim3A_32 : vector<256x128xi1>, vector<256x128xf32>
    %swap3A_34 = arith.constant 0 : index
    %swap3A_35 = arith.constant 0 : index
    %swap3A_36 = vector.load %arg6[%swap3A_34, %swap3A_35] : memref<256x128xf32, #tpu.memory_space<vmem>>, vector<256x128xf32>
    tpu.vector_store %arg6[%swap3A_34, %swap3A_35], %select_n3A_33 {strides = array<i32>} : memref<256x128xf32, #tpu.memory_space<vmem>>, vector<256x128xf32>,
    return
  }
  func.func @transform_0(%arg0: i32) -> (i32, i32) {
    %c0_i32 = arith.constant 0 : i32
    %c0_i32_0 = arith.constant 0 : i32
    return %c0_i32, %arg0 : i32, i32
  }
  func.func @transform_1(%arg0: i32) -> (i32, i32) {
    %c0_i32 = arith.constant 0 : i32
    %c0_i32_0 = arith.constant 0 : i32
    return %c0_i32, %arg0 : i32, i32
  }
  func.func @transform_2(%arg0: i32) -> (i32, i32) {
    %c0_i32 = arith.constant 0 : i32
    %c0_i32_0 = arith.constant 0 : i32
    return %c0_i32, %arg0 : i32, i32
  }
  func.func @transform_3(%arg0: i32) -> (i32, i32) {
    %c0_i32 = arith.constant 0 : i32
    %c0_i32_0 = arith.constant 0 : i32
    return %c0_i32, %arg0 : i32, i32
  }
  func.func @transform_4(%arg0: i32) -> (i32, i32) {
    %c0_i32 = arith.constant 0 : i32
    %c0_i32_0 = arith.constant 0 : i32
    return %c0_i32, %arg0 : i32, i32
  }
  func.func @transform_5(%arg0: i32) -> (i32, i32) {
    %c0_i32 = arith.constant 0 : i32
    %c0_i32_0 = arith.constant 0 : i32
    return %c0_i32, %arg0 : i32, i32
  }
}

</mosaic_0001>

<sc_bundles>
// kernel: kernel.4.cloned.1.call-start
scs
__scs_entry_jumppad:
0x0: {  	(pc) =	sbr.rel $0x88, $3  }
0x1: {  	(tag) =	ssettag $0x0;
	lr =	simm.s32 $0x1  }
0x2: {  	[smem:$0x3FA0] =	sst lr;
	_ =	strace $0xD0000000  }
0x3: {  	_ = 	snop  }
0x4: {  	_ = 	snop  }
0x5: {  	_ = 	snop  }
0x6: {  	_ = 	snop  }
0x7: {  	_ = 	snop  }
__scs_overlays_trampoline_lowered:
0x8: {  	[smem:$0x3FAF] =	sst s0  }
0x9: {  	[smem:$0x3FB0] =	sst s1  }
0xa: {  	[smem:$0x3FB1] =	sst s2  }
0xb: {  	[smem:$0x3FB2] =	sst s3  }
0xc: {  	[smem:$0x3FB3] =	sst s4  }
0xd: {  	[smem:$0x3FB4] =	sst s5  }
0xe: {  	[smem:$0x3FB5] =	sst s6  }
0xf: {  	[smem:$0x3FB6] =	sst s7  }
0x10: {  	[smem:$0x3FB7] =	sst s8  }
0x11: {  	[smem:$0x3FB8] =	sst s9;
	s0 =	simm.s32 @!p0 $0x0  }
0x12: {  	s1 =	sld [smem:$0x3F9E];
	s0 =	simm.s32 @p0 $0x1  }
0x13: {  	[smem:$0x3FB9] =	sst s0;
	s0 =	simm.s32 @!p1 $0x0  }
0x14: {  	s2 =	sld [smem:$0x3F9D];
	s0 =	simm.s32 @p1 $0x1  }
0x15: {  	[smem:$0x3FBA] =	sst s0;
	s0 =	simm.s32 @!p2 $0x0  }
0x16: {  	s3 =	sld [smem:$0x3FDB];
	s0 =	simm.s32 @p2 $0x1  }
0x17: {  	s4 =	simm.s32 $0x1BF5;
	[smem:$0x3FBC] =	sst s0  }
0x18: {  	s0 =	sld [smem:$0x3F9F];
	_ =	swait.ge [sflag:s4], $0x0  }
0x19: {  	s7 =	sld [smem:$0x3FA0]  }
0x1a: {  	s8 =	sadd.s32 $0xFFFFE003, lr  }
0x1b: {  	s9 =	sadd.s32 $0xFFFFFEF7, lr;
	s5 =	simm.s32 $0xFFFFFFFF;
	p2 =	slt.u32 s8, $0xFFFFF086  }
0x1c: {  	p1 =	slt.u32 s9, $0xF7A;
	s5 =	simm.s32 @!p2 $0x0  }
0x1d: {  	s5 =	simm.s32 @p1 $0x1;
	p0 =	seq.s32 s7, s2  }
0x1e: {  	s7 =	smul.u32 @!p0 $0xF7A, s2;
	p2 =	seq.s32 @!p0 s5, $0x0  }
0x1f: {  	s9 =	smul.u32 $0xF7A, s1;
	s8 =	simm.s32 @!p0 $0x1BF5;
	p2 =	por !p2, p0  }
0x20: {  	[sflag:s8] =	ssyncset.s32 @!p0 $0xFFFFF086;
	s6 =	sadd.s32 @!p0 s3, s7;
	s7 =	simm.s32 @!p0 $0x108  }
0x21: {  	s3 =	sadd.s32 s3, s9;
	s6 =	sadd.s32 @!p0 $0x88, s6;
	s7 =	simm.s32 @p2 $0x1082  }
0x22: {  	[simem:s7], [sflag:s8] =	dma.local @!p0 [hbm:s6], $0xF7A  }
0x23: {  	s9 =	sor.u32 $0xD0000000, s2;
	s6 =	simm.s32 $0x108;
	_ =	swait.ge @!p0 [sflag:s8], $0x0  }
0x24: {  	s3 =	sadd.s32 $0x88, s3;
	s6 =	simm.s32 @!p1 $0x1082;
	[sflag:s4] =	ssyncset.s32 $0xFFFFF086  }
0x25: {  	[simem:s6], [sflag:s4] =	dma.local [hbm:s3], $0xF7A  }
0x26: {  	[smem:$0x3FA0] =	sst s1;
	(tag) =	ssettag s2;
	_ =	strace s9  }
0x27: {  	s1 =	sld [smem:$0x3FB0]  }
0x28: {  	s2 =	sld [smem:$0x3FB1]  }
0x29: {  	s4 =	sld [smem:$0x3FB3]  }
0x2a: {  	p0 =	seq.s32 s5, $0x0;
	s5 =	sld [smem:$0x3FB4]  }
0x2b: {  	s6 =	sld [smem:$0x3FB5]  }
0x2c: {  	s7 =	sld [smem:$0x3FB6]  }
0x2d: {  	s3 =	simm.s32 $0x108;
	s8 =	sld [smem:$0x3FB7]  }
0x2e: {  	s3 =	simm.s32 @!p0 $0x1082;
	s9 =	sld [smem:$0x3FB8]  }
0x2f: {  	lr =	sadd.s32 s0, s3;
	s0 =	sld [smem:$0x3FAF]  }
0x30: {  	s3 =	sld [smem:$0x3FB2]  }
0x31: {  	[smem:$0x3FBB] =	sst s10  }
0x32: {  	s10 =	sld [smem:$0x3FB9];
	_ =	sdelay $0x3  }
0x33: {  	p0 =	seq.s32 s10, $0x1;
	s10 =	sld [smem:$0x3FBB];
	_ =	sdelay $0x3  }
0x34: {  	[smem:$0x3FBB] =	sst s10  }
0x35: {  	s10 =	sld [smem:$0x3FBA];
	_ =	sdelay $0x3  }
0x36: {  	p1 =	seq.s32 s10, $0x1;
	s10 =	sld [smem:$0x3FBB];
	_ =	sdelay $0x3  }
0x37: {  	[smem:$0x3FBB] =	sst s10  }
0x38: {  	s10 =	sld [smem:$0x3FBC]  }
0x39: {  	_ = 	snop;
	(pc) =	sbr.ind lr, $3  }
0x3a: {  	_ = 	snop  }
0x3b: {  	_ = 	snop  }
0x3c: {  	p2 =	seq.s32 s10, $0x1;
	s10 =	sld [smem:$0x3FBB]  }
0x3d: {  	_ =	shalt  }
0x3e: {  	_ =	shalt  }
0x3f: {  	_ =	shalt  }
0x40: {  	_ =	shalt  }
0x41: {  	_ =	shalt  }
0x42: {  	_ =	shalt  }
0x43: {  	_ =	shalt  }
0x44: {  	_ =	shalt  }
0x45: {  	_ =	shalt  }
0x46: {  	_ =	shalt  }
0x47: {  	_ =	shalt  }
0x48: {  	_ =	shalt  }
0x49: {  	_ =	shalt  }
0x4a: {  	_ =	shalt  }
0x4b: {  	_ =	shalt  }
0x4c: {  	_ =	shalt  }
0x4d: {  	_ =	shalt  }
0x4e: {  	_ =	shalt  }
0x4f: {  	_ =	shalt  }
0x50: {  	_ =	shalt  }
0x51: {  	_ =	shalt  }
0x52: {  	_ =	shalt  }
0x53: {  	_ =	shalt  }
0x54: {  	_ =	shalt  }
0x55: {  	_ =	shalt  }
0x56: {  	_ =	shalt  }
0x57: {  	_ =	shalt  }
0x58: {  	_ =	shalt  }
0x59: {  	_ =	shalt  }
0x5a: {  	_ =	shalt  }
0x5b: {  	_ =	shalt  }
0x5c: {  	_ =	shalt  }
0x5d: {  	_ =	shalt  }
0x5e: {  	_ =	shalt  }
0x5f: {  	_ =	shalt  }
0x60: {  	_ =	shalt  }
0x61: {  	_ =	shalt  }
0x62: {  	_ =	shalt  }
0x63: {  	_ =	shalt  }
0x64: {  	_ =	shalt  }
0x65: {  	_ =	shalt  }
0x66: {  	_ =	shalt  }
0x67: {  	_ =	shalt  }
0x68: {  	_ =	shalt  }
0x69: {  	_ =	shalt  }
0x6a: {  	_ =	shalt  }
0x6b: {  	_ =	shalt  }
0x6c: {  	_ =	shalt  }
0x6d: {  	_ =	shalt  }
0x6e: {  	_ =	shalt  }
0x6f: {  	_ =	shalt  }
0x70: {  	_ =	shalt  }
0x71: {  	_ =	shalt  }
0x72: {  	_ =	shalt  }
0x73: {  	_ =	shalt  }
0x74: {  	_ =	shalt  }
0x75: {  	_ =	shalt  }
0x76: {  	_ =	shalt  }
0x77: {  	_ =	shalt  }
0x78: {  	_ =	shalt  }
0x79: {  	_ =	shalt  }
0x7a: {  	_ =	shalt  }
0x7b: {  	_ =	shalt  }
0x7c: {  	_ =	shalt  }
0x7d: {  	_ =	shalt  }
0x7e: {  	_ =	shalt  }
0x7f: {  	_ =	shalt  }
0x80: {  	_ =	shalt  }
0x81: {  	_ =	shalt  }
0x82: {  	_ =	shalt  }
0x83: {  	_ =	shalt  }
0x84: {  	_ =	shalt  }
0x85: {  	_ =	shalt  }
0x86: {  	_ =	shalt  }
0x87: {  	_ =	shalt  }
.Lfunc_end0:
.L_simem_size_0:
called_computation.1_lowered:
.L_overlay_start_0:
0x88: {  	s2 =	sld [smem:$0x3FD9]  }
0x89: {  	s3 =	sld [smem:$0x3FFE];
	_ =	sdelay $0x1  }
0x8a: {  	s1 =	srdreg.scid  }
0x8b: {  	s0 =	sand.u32 $0x1, s1  }
0x8c: {  	s16 =	sshll.u32 s0, $0xA;
	s2 =	sadd.s32 s3, s2  }
0x8d: {  	s2 =	sadd.s32 s2, s16  }
0x8e: {  	[smem:$0x3FC7] =	sst s2  }
0x8f: {  	_ = 	snop  }
0x90: {  	(tm) =	ssettm $0x1  }
0x91: {  	s17 =	sld [smem:$0x3FFB];
	_ =	sdelay $0x3  }
0x92: {  	_ =	strace s17  }
0x93: {  	s2 =	sld [smem:$0x3FFC];
	_ =	sdelay $0x3  }
0x94: {  	_ =	strace s2  }
0x95: {  	s2 =	sld [smem:$0x3FFD];
	_ =	sdelay $0x3  }
0x96: {  	_ =	strace s2  }
0x97: {  	_ =	strace $0x8FFFFFFF  }
0x98: {  	s18 =	sld [smem:$0x3FDB];
	_ =	sdelay $0x1  }
0x99: {  	s19 =	simm.s32 $_scs_section_size  }
0x9a: {  	s4 =	simm.s32 $_size__tile_overlayer_lowered;
	s5 =	simm.s32 $_tile_overlayer_lowered  }
0x9b: {  	s22 =	simm.s32 $0x1BFF;
	s21 =	sshll.u32 s5, $0x1;
	s2 =	sadd.s32 s19, s18  }
0x9c: {  	s6 =	simm.s32 $0x0;
	s20 =	sshll.u32 s4, $0x1;
	s4 =	sadd.s32 s21, s2  }
0x9d: {  	[timem:s6], [sflag:s22] =	dma.local [hbm:s4], s20  }
0x9e: {  	_ =	swait.ge [sflag:s22], s20  }
0x9f: {  	s3 =	ssub.s32 $0x0, s20;
	[sflag:s22] =	ssyncset.done $0x0  }
0xa0: {  	[sflag:s22] =	ssyncadd.s32 s3;
	_ =	sdelay $0x1  }
0xa1: {  	s23 =	simm.s32 $0x1B8B  }
0xa2: {  	_ =	swait.ge [sflag:s23], $0x1  }
0xa3: {  	[sflag:s23] =	ssyncset.done $0x0  }
0xa4: {  	s25 =	simm.s32 $0x1B8E;
	s24 =	sld [smem:$0x3FFE];
	[sflag:s23] =	ssyncadd.s32 $0xFFFFFFFF  }
0xa5: {  	s26 =	simm.s32 $execute0_lowered;
	[smem:$0x3FD2] =	sst s25  }
0xa6: {  	s4 =	sshll.u32 s26, $0x1;
	_ =	strace $0x80000049;
	[dreg:$0x1] =	wrdreg $0xFFFFFFFF  }
0xa7: {  	s28 =	simm.s32 $_size_execute0_lowered;
	s2 =	sadd.s32 s2, s4;
	[dreg:$0x0] =	wrdreg $0x0  }
0xa8: {  	s4 =	sshll.u32 s28, $0x1;
	[dreg:$0x2] =	wrdreg s2  }
0xa9: {  	[dreg:$0x3] =	wrdreg s4  }
0xaa: {  	[dreg:$0x4] =	wrdreg $0xC0  }
0xab: {  	_ =	task [dreg:s6], $0x5FFFF  }
0xac: {  	[dreg:$0x1] =	wrdreg $0xFFFFFFFF  }
0xad: {  	[dreg:$0x0] =	wrdreg $0x60  }
0xae: {  	[dreg:$0x2] =	wrdreg s24  }
0xaf: {  	[dreg:$0x3] =	wrdreg $0x9  }
0xb0: {  	_ =	task.clear_ibuf [dreg:s6], $0x4FFFF;
	_ =	strace $0x90000049  }
0xb1: {  	s29 =	simm.s32 $0x9;
	_ =	strace $0x8000004B  }
0xb2: {  	_ =	swait.ge [sflag:s29], $0x1  }
0xb3: {  	[sflag:s29] =	ssyncadd.s32 $0xFFFFFFFF  }
0xb4: {  	_ =	strace $0x9000004B  }
0xb5: {  	_ =	sfence  }
0xb6: {  	s30 =	sld [smem:$0x0];
	_ =	sdelay $0x2  }
0xb7: {  	s31 =	sshll.u32 s1, $0xD;
	s1 =	sshrl.u32 s1, $0x2  }
0xb8: {  	s3 =	sand.u32 $0x4000, s31;
	s1 =	sadd.s32 s1, s30  }
0xb9: {  	s0 =	sor.u32 s3, s0;
	s1 =	sshll.u32 s1, $0x11  }
0xba: {  	s0 =	sor.u32 s1, s0  }
0xbb: {  	s0 =	sadd.s32 $0x8F2B, s0  }
0xbc: {  	[sflag:s0] =	ssyncadd.remote.s32 $0x1  }
0xbd: {  	_ =	sfence.sel $0xFFFF  }
0xbe: {  	[dreg:$0x0] =	wrdreg $0xFFFFFFFF;
	(pc) =	sbr.abs _section_cstart, $3  }
0xbf: {  	[dreg:$0x1] =	wrdreg $0xFFFFFFFF  }
0xc0: {  	_ =	task.clear_ibuf [dreg:s6], $0x2FFFF;
	_ =	strace $0x9FFFFFFF  }
0xc1: {  	(tm) =	ssettm $0x7FFFFFFF  }
tec
execute0_lowered:
.L_overlay_start_1:
0x0: {  	(tag) =	ssettag $0x1  }
0x1: {  	s1 =	rddreg [dreg:$0x0];
	s3 =	simm.s32 $0x0  }
0x2: {  	s0 =	srdreg.scid;
	s2 =	stileid.u32;
	s18 =	simm.s32 $0x2  }
0x3: {  	s19 =	simm.s32 $0x2A80;
	s20 =	simm.s32 $0x1;
	s21 =	simm.s32 $0x1400  }
0x4: {  	s22 =	simm.s32 $0x3E80;
	s23 =	simm.s32 $0x5280;
	s24 =	simm.s32 $0x6680  }
0x5: {  	s25 =	simm.s32 $0x7A80;
	s26 =	simm.s32 $0x8E80;
	s28 =	simm.s32 $0x0  }
0x6: {  	[smem:$0x7FF] =	sst s3;
	s0 =	sand.u32 $0x1, s0;
	s6 =	sshll.u32 s2, $0x1  }
0x7: {  	s4 =	sadd.s32 $0x2D200, s1;
	s5 =	sadd.s32 $0x1E200, s1;
	s7 =	sor.u32 s0, s6  }
0x8: {  	s8 =	sadd.s32 $0x14200, s1;
	s0 =	ssub.s32 $0x2, s0;
	s10 =	smul.u32 $0x280, s7  }
0x9: {  	s9 =	sadd.s32 $0x19200, s1;
	_ =	strace $0x8000004A;
	s11 =	sshrl.u32 s0, $0x1  }
0xa: {  	s6 =	sadd.s32 $0xA200, s1;
	s0 =	ssub.s32 s0, s11;
	s16 =	sadd.s32 s10, s1  }
0xb: {  	s7 =	sadd.s32 $0xF200, s1;
	s17 =	smax.u32 s0, $0x1;
	s10 =	sadd.s32 $0x5200, s16  }
0xc: {  	s11 =	sadd.s32 $0x200, s16;
	s12 =	sadd.s32 $0x23200, s16;
	s13 =	sadd.s32 $0x32200, s16  }
0xd: {  	s14 =	sadd.s32 $0x37200, s16;
	s15 =	sadd.s32 $0x3C200, s16;
	s16 =	sadd.s32 $0x41200, s16  }
.LBB2_1:
0xe: {  	[tilespmem:s3], [sflag:$0x2] =	stream.linear.gather [hbm4b:s10+s3], $0x1400, $0x38;
	[tilespmem:$0xA280] =	vst v63  }
0xf: {  	_ =	swait.ge [sflag:s18], $0x1400  }
0x10: {  	[sflag:s18] =	ssyncset.done $0x0  }
0x11: {  	[sflag:s18] =	ssyncadd.s32 $0xFFFFEC00  }
0x12: {  	[tilespmem:s19], [sflag:$0x2] =	stream.linear.gather [hbm4b:s11+s3], $0x1400, $0x38;
	[tilespmem:$0xA280] =	vst v63  }
0x13: {  	_ =	swait.ge [sflag:s18], $0x1400  }
0x14: {  	[sflag:s18] =	ssyncset.done $0x0  }
0x15: {  	s29 =	simm.s32 $0x2800;
	s0 =	smulhi.u32 $0xCCCCCCCD, s3;
	[sflag:s18] =	ssyncadd.s32 $0xFFFFEC00  }
0x16: {  	[tilespmem:s29], [sflag:$0x2] =	stream.linear.gather [hbm4b:s1+s3], $0x280, $0x38;
	[tilespmem:$0xA280] =	vst v63  }
0x17: {  	_ =	swait.ge [sflag:s18], $0x280  }
0x18: {  	s0 =	sshrl.u32 s0, $0x5;
	[sflag:s18] =	ssyncset.done $0x0  }
0x19: {  	s0 =	smul.u32 $0xFFFFF600, s0;
	[sflag:s18] =	ssyncadd.s32 $0xFFFFFD80  }
0x1a: {  	[tilespmem:s21], [sflag:$0x1] =	stream.indirect.gather [hbm4b:s4+s21], $0x1, s3, s21, $0xb8;
	[tilespmem:$0xA280] =	vst v63  }
0x1b: {  	_ =	swait.ge [sflag:s20], $0x1400  }
0x1c: {  	s0 =	sshra.s32 s0, $0x2;
	[sflag:s20] =	ssyncset.done $0x0  }
0x1d: {  	s0 =	sadd.s32 $0x2800, s0;
	[sflag:s20] =	ssyncadd.s32 $0xFFFFEC00  }
0x1e: {  	s30 =	simm.s32 $0x1;
	v0 =	vld [tilespmem:s0+$0x0]  }
0x1f: {  	s0 =	smulhi.u32 $0xCCCCCCCD, s30;
	v1 =	vld [tilespmem:s21+$0x0]  }
0x20: {  	s31 =	simm.s32 $0x2;
	s30 =	simm.s32 $0x1400  }
.LBB2_2:
0x21: {  	p0 =	sne.s32 s31, $0x13F;
	s0 =	sshrl.u32 s0, $0x5  }
0x22: {  	s0 =	smul.u32 $0xFFFFF600, s0;
	_ =	sdelay $0x1  }
.Ltmp0:
0x23: {  	s29 =	sadd.s32 $0x10, s29;
	s0 =	sshra.s32 s0, $0x2;
	v0 =	vadd.s32 v1, v0;
	(pc) =	sbr.rel @p0 .LBB2_2-.Ltmp0, $4  }
0x24: {  	s0 =	sadd.s32 s0, s29;
	[tilespmem:s30+$0x0] =	vst v0  }
0x25: {  	s30 =	sadd.s32 $0x10, s30;
	v0 =	vld [tilespmem:s0+$0x0]  }
0x26: {  	s0 =	smulhi.u32 $0xCCCCCCCD, s31;
	v1 =	vld [tilespmem:s30+$0x0]  }
0x27: {  	s31 =	sadd.s32 $0x1, s31  }
0x28: {  	s0 =	sshrl.u32 s0, $0x5  }
0x29: {  	s0 =	smul.u32 $0xFFFFF600, s0;
	_ =	sdelay $0x1  }
0x2a: {  	s29 =	sadd.s32 $0x10, s29;
	s0 =	sshra.s32 s0, $0x2;
	v0 =	vadd.s32 v1, v0  }
0x2b: {  	s0 =	sadd.s32 s0, s29;
	[tilespmem:s30+$0x0] =	vst v0  }
0x2c: {  	s31 =	sadd.s32 $0x10, s30;
	v0 =	vld [tilespmem:s0+$0x0]  }
0x2d: {  	v1 =	vld [tilespmem:s31+$0x0];
	_ =	sdelay $0x4  }
0x2e: {  	v0 =	vadd.s32 v1, v0  }
0x2f: {  	[tilespmem:s31+$0x0] =	vst v0  }
0x30: {  	[tilespmem:s22], [sflag:$0x1] =	stream.indirect.gather [hbm4b:s5+s21], $0x1, s21, s21, $0xb8;
	[tilespmem:$0xA280] =	vst v63  }
0x31: {  	_ =	swait.ge [sflag:s20], $0x1400  }
0x32: {  	[sflag:s20] =	ssyncset.done $0x0  }
0x33: {  	[sflag:s20] =	ssyncadd.s32 $0xFFFFEC00  }
0x34: {  	[tilespmem:s23], [sflag:$0x1] =	stream.indirect.gather [hbm4b:s6+s21], $0x1, s21, s21, $0xb8;
	[tilespmem:$0xA280] =	vst v63  }
0x35: {  	_ =	swait.ge [sflag:s20], $0x1400  }
0x36: {  	[sflag:s20] =	ssyncset.done $0x0  }
0x37: {  	[sflag:s20] =	ssyncadd.s32 $0xFFFFEC00  }
0x38: {  	[tilespmem:s24], [sflag:$0x1] =	stream.indirect.gather [hbm4b:s7+s21], $0x1, s21, s21, $0xb8;
	[tilespmem:$0xA280] =	vst v63  }
0x39: {  	_ =	swait.ge [sflag:s20], $0x1400  }
0x3a: {  	[sflag:s20] =	ssyncset.done $0x0  }
0x3b: {  	[sflag:s20] =	ssyncadd.s32 $0xFFFFEC00  }
0x3c: {  	[tilespmem:s25], [sflag:$0x1] =	stream.indirect.gather [hbm4b:s8+s21], $0x1, s21, s21, $0xb8;
	[tilespmem:$0xA280] =	vst v63  }
0x3d: {  	_ =	swait.ge [sflag:s20], $0x1400  }
0x3e: {  	[sflag:s20] =	ssyncset.done $0x0  }
0x3f: {  	[sflag:s20] =	ssyncadd.s32 $0xFFFFEC00  }
0x40: {  	[tilespmem:s26], [sflag:$0x1] =	stream.indirect.gather [hbm4b:s9+s21], $0x1, s21, s21, $0xb8;
	[tilespmem:$0xA280] =	vst v63  }
0x41: {  	_ =	swait.ge [sflag:s20], $0x1400  }
0x42: {  	[sflag:s20] =	ssyncset.done $0x0  }
0x43: {  	s29 =	simm.s32 $0x0;
	[sflag:s20] =	ssyncadd.s32 $0xFFFFEC00  }
0x44: {  	s30 =	simm.s32 $0x40;
	v0 =	vld [tilespmem:s29+$0x2A80]  }
.LBB2_4:
0x45: {  	p0 =	sne.s32 s30, $0x4FC0;
	v1 =	vld [tilespmem:s29+$0x3E80];
	_ =	sdelay $0x2  }
.Ltmp1:
0x46: {  	(pc) =	sbr.rel @p0 .LBB2_4-.Ltmp1, $4  }
0x47: {  	_ = 	snop  }
0x48: {  	v1 =	vmul.f32 v0, v1  }
0x49: {  	s0 =	sshra.s32 s30, $0x2  }
0x4a: {  	s30 =	sadd.s32 $0x40, s30;
	v0 =	vld [tilespmem:s0+$0x2A80];
	[tilespmem:s29+$0x3E80] =	vst v1;
	s29 =	smov.u32 s0  }
0x4b: {  	v1 =	vld [tilespmem:s29+$0x3E80];
	_ =	sdelay $0x4  }
0x4c: {  	v0 =	vmul.f32 v0, v1;
	_ =	sdelay $0x1  }
0x4d: {  	[tilespmem:s29+$0x3E80] =	vst v0  }
0x4e: {  	[hbm4b:s12+s3] =	stream.linear.scatter [tilespmem:s22], [sflag:$0x2], $0x1400, $0x38;
	[tilespmem:$0xA280] =	vst v63  }
0x4f: {  	_ =	swait.ge [sflag:s18], $0x1400  }
0x50: {  	[sflag:s18] =	ssyncset.done $0x0  }
0x51: {  	[sflag:s18] =	ssyncadd.s32 $0xFFFFEC00  }
0x52: {  	[hbm4b:s13+s3] =	stream.linear.scatter [tilespmem:s23], [sflag:$0x2], $0x1400, $0x38;
	[tilespmem:$0xA280] =	vst v63  }
0x53: {  	_ =	swait.ge [sflag:s18], $0x1400  }
0x54: {  	[sflag:s18] =	ssyncset.done $0x0  }
0x55: {  	[sflag:s18] =	ssyncadd.s32 $0xFFFFEC00  }
0x56: {  	[hbm4b:s14+s3] =	stream.linear.scatter [tilespmem:s24], [sflag:$0x2], $0x1400, $0x38;
	[tilespmem:$0xA280] =	vst v63  }
0x57: {  	_ =	swait.ge [sflag:s18], $0x1400  }
0x58: {  	[sflag:s18] =	ssyncset.done $0x0  }
0x59: {  	[sflag:s18] =	ssyncadd.s32 $0xFFFFEC00  }
0x5a: {  	[hbm4b:s15+s3] =	stream.linear.scatter [tilespmem:s25], [sflag:$0x2], $0x1400, $0x38;
	[tilespmem:$0xA280] =	vst v63  }
0x5b: {  	s28 =	sadd.s32 $0x1, s28;
	_ =	swait.ge [sflag:s18], $0x1400  }
0x5c: {  	p0 =	sne.s32 s28, s17;
	[sflag:s18] =	ssyncset.done $0x0  }
.Ltmp2:
0x5d: {  	[sflag:s18] =	ssyncadd.s32 $0xFFFFEC00;
	(pc) =	sbr.rel @p0 .LBB2_1-.Ltmp2, $4  }
0x5e: {  	[hbm4b:s16+s3] =	stream.linear.scatter [tilespmem:s26], [sflag:$0x2], $0x1400, $0x38;
	[tilespmem:$0xA280] =	vst v63  }
0x5f: {  	_ =	swait.ge [sflag:s18], $0x1400  }
0x60: {  	[sflag:s18] =	ssyncset.done $0x0  }
0x61: {  	[sflag:s18] =	ssyncadd.s32 $0xFFFFEC00  }
0x62: {  	_ =	sfence.sel $0x180000  }
0x63: {  	[bflag:$0x0] =	sbarrier.arrive $0xFFFF  }
0x64: {  	_ =	strace $0x9000004A  }
0x65: {  	[bflag:$0x2] =	sbarrier.arrive $0xFFFF  }
0x66: {  	p0 =	sne.s32 s2, $0x0;
	s0 =	rddreg [dreg:$0x1]  }
0x67: {  	s0 =	sadd.s32 @!p0 $0x100000, s0  }
0x68: {  	[sflag:s0] =	ssyncadd.tile.s32 @!p0 $0x1;
	_ =	shalt  }
.Lfunc_end2:
_tile_overlayer_lowered:
.L_overlay_start_2:
0x69: {  	(tag) =	ssettag $0x2  }
0x6a: {  	s0 =	rddreg [dreg:$0x0];
	s2 =	stileid.u32  }
0x6b: {  	s1 =	rddreg [dreg:$0x1];
	p0 =	sne.s32 s2, $0x0  }
0x6c: {  	s3 =	rddreg [dreg:$0x2];
	[bflag:$0x3] =	sbarrier.arrive $0xFFFF;
	s2 =	simm.s32 @!p0 $0x1C02  }
0x6d: {  	[timem:s3], [sflag:s2] =	dma.local @!p0 [hbm:s0], s1  }
0x6e: {  	s0 =	simm.s32 @!p0 $0x2  }
0x6f: {  	_ =	swait.ge @!p0 [sflag:s0], s1  }
0x70: {  	s1 =	ssub.s32 @!p0 $0x0, s1;
	[sflag:s0] =	ssyncset.done @!p0 $0x0  }
0x71: {  	[sflag:s0] =	ssyncadd.s32 @!p0 s1  }
0x72: {  	[bflag:$0x3] =	sbarrier.arrive $0xFFFF  }
0x73: {  	_ =	shalt  }

// kernel: scatter_offload_async_start
scs
__scs_entry_jumppad:
0x0: {  	(pc) =	sbr.rel $0x88, $3  }
0x1: {  	(tag) =	ssettag $0x0;
	lr =	simm.s32 $0x1  }
0x2: {  	[smem:$0x3FA0] =	sst lr;
	_ =	strace $0xD0000000  }
0x3: {  	_ = 	snop  }
0x4: {  	_ = 	snop  }
0x5: {  	_ = 	snop  }
0x6: {  	_ = 	snop  }
0x7: {  	_ = 	snop  }
__scs_overlays_trampoline_lowered:
0x8: {  	[smem:$0x3FAF] =	sst s0  }
0x9: {  	[smem:$0x3FB0] =	sst s1  }
0xa: {  	[smem:$0x3FB1] =	sst s2  }
0xb: {  	[smem:$0x3FB2] =	sst s3  }
0xc: {  	[smem:$0x3FB3] =	sst s4  }
0xd: {  	[smem:$0x3FB4] =	sst s5  }
0xe: {  	[smem:$0x3FB5] =	sst s6  }
0xf: {  	[smem:$0x3FB6] =	sst s7  }
0x10: {  	[smem:$0x3FB7] =	sst s8  }
0x11: {  	[smem:$0x3FB8] =	sst s9;
	s0 =	simm.s32 @!p0 $0x0  }
0x12: {  	s1 =	sld [smem:$0x3F9E];
	s0 =	simm.s32 @p0 $0x1  }
0x13: {  	[smem:$0x3FB9] =	sst s0;
	s0 =	simm.s32 @!p1 $0x0  }
0x14: {  	s2 =	sld [smem:$0x3F9D];
	s0 =	simm.s32 @p1 $0x1  }
0x15: {  	[smem:$0x3FBA] =	sst s0;
	s0 =	simm.s32 @!p2 $0x0  }
0x16: {  	s3 =	sld [smem:$0x3FDB];
	s0 =	simm.s32 @p2 $0x1  }
0x17: {  	s4 =	simm.s32 $0x1BF5;
	[smem:$0x3FBC] =	sst s0  }
0x18: {  	s0 =	sld [smem:$0x3F9F];
	_ =	swait.ge [sflag:s4], $0x0  }
0x19: {  	s7 =	sld [smem:$0x3FA0]  }
0x1a: {  	s8 =	sadd.s32 $0xFFFFE003, lr  }
0x1b: {  	s9 =	sadd.s32 $0xFFFFFEF7, lr;
	s5 =	simm.s32 $0xFFFFFFFF;
	p2 =	slt.u32 s8, $0xFFFFF086  }
0x1c: {  	p1 =	slt.u32 s9, $0xF7A;
	s5 =	simm.s32 @!p2 $0x0  }
0x1d: {  	s5 =	simm.s32 @p1 $0x1;
	p0 =	seq.s32 s7, s2  }
0x1e: {  	s7 =	smul.u32 @!p0 $0xF7A, s2;
	p2 =	seq.s32 @!p0 s5, $0x0  }
0x1f: {  	s9 =	smul.u32 $0xF7A, s1;
	s8 =	simm.s32 @!p0 $0x1BF5;
	p2 =	por !p2, p0  }
0x20: {  	[sflag:s8] =	ssyncset.s32 @!p0 $0xFFFFF086;
	s6 =	sadd.s32 @!p0 s3, s7;
	s7 =	simm.s32 @!p0 $0x108  }
0x21: {  	s3 =	sadd.s32 s3, s9;
	s6 =	sadd.s32 @!p0 $0x88, s6;
	s7 =	simm.s32 @p2 $0x1082  }
0x22: {  	[simem:s7], [sflag:s8] =	dma.local @!p0 [hbm:s6], $0xF7A  }
0x23: {  	s9 =	sor.u32 $0xD0000000, s2;
	s6 =	simm.s32 $0x108;
	_ =	swait.ge @!p0 [sflag:s8], $0x0  }
0x24: {  	s3 =	sadd.s32 $0x88, s3;
	s6 =	simm.s32 @!p1 $0x1082;
	[sflag:s4] =	ssyncset.s32 $0xFFFFF086  }
0x25: {  	[simem:s6], [sflag:s4] =	dma.local [hbm:s3], $0xF7A  }
0x26: {  	[smem:$0x3FA0] =	sst s1;
	(tag) =	ssettag s2;
	_ =	strace s9  }
0x27: {  	s1 =	sld [smem:$0x3FB0]  }
0x28: {  	s2 =	sld [smem:$0x3FB1]  }
0x29: {  	s4 =	sld [smem:$0x3FB3]  }
0x2a: {  	p0 =	seq.s32 s5, $0x0;
	s5 =	sld [smem:$0x3FB4]  }
0x2b: {  	s6 =	sld [smem:$0x3FB5]  }
0x2c: {  	s7 =	sld [smem:$0x3FB6]  }
0x2d: {  	s3 =	simm.s32 $0x108;
	s8 =	sld [smem:$0x3FB7]  }
0x2e: {  	s3 =	simm.s32 @!p0 $0x1082;
	s9 =	sld [smem:$0x3FB8]  }
0x2f: {  	lr =	sadd.s32 s0, s3;
	s0 =	sld [smem:$0x3FAF]  }
0x30: {  	s3 =	sld [smem:$0x3FB2]  }
0x31: {  	[smem:$0x3FBB] =	sst s10  }
0x32: {  	s10 =	sld [smem:$0x3FB9];
	_ =	sdelay $0x3  }
0x33: {  	p0 =	seq.s32 s10, $0x1;
	s10 =	sld [smem:$0x3FBB];
	_ =	sdelay $0x3  }
0x34: {  	[smem:$0x3FBB] =	sst s10  }
0x35: {  	s10 =	sld [smem:$0x3FBA];
	_ =	sdelay $0x3  }
0x36: {  	p1 =	seq.s32 s10, $0x1;
	s10 =	sld [smem:$0x3FBB];
	_ =	sdelay $0x3  }
0x37: {  	[smem:$0x3FBB] =	sst s10  }
0x38: {  	s10 =	sld [smem:$0x3FBC]  }
0x39: {  	_ = 	snop;
	(pc) =	sbr.ind lr, $3  }
0x3a: {  	_ = 	snop  }
0x3b: {  	_ = 	snop  }
0x3c: {  	p2 =	seq.s32 s10, $0x1;
	s10 =	sld [smem:$0x3FBB]  }
0x3d: {  	_ =	shalt  }
0x3e: {  	_ =	shalt  }
0x3f: {  	_ =	shalt  }
0x40: {  	_ =	shalt  }
0x41: {  	_ =	shalt  }
0x42: {  	_ =	shalt  }
0x43: {  	_ =	shalt  }
0x44: {  	_ =	shalt  }
0x45: {  	_ =	shalt  }
0x46: {  	_ =	shalt  }
0x47: {  	_ =	shalt  }
0x48: {  	_ =	shalt  }
0x49: {  	_ =	shalt  }
0x4a: {  	_ =	shalt  }
0x4b: {  	_ =	shalt  }
0x4c: {  	_ =	shalt  }
0x4d: {  	_ =	shalt  }
0x4e: {  	_ =	shalt  }
0x4f: {  	_ =	shalt  }
0x50: {  	_ =	shalt  }
0x51: {  	_ =	shalt  }
0x52: {  	_ =	shalt  }
0x53: {  	_ =	shalt  }
0x54: {  	_ =	shalt  }
0x55: {  	_ =	shalt  }
0x56: {  	_ =	shalt  }
0x57: {  	_ =	shalt  }
0x58: {  	_ =	shalt  }
0x59: {  	_ =	shalt  }
0x5a: {  	_ =	shalt  }
0x5b: {  	_ =	shalt  }
0x5c: {  	_ =	shalt  }
0x5d: {  	_ =	shalt  }
0x5e: {  	_ =	shalt  }
0x5f: {  	_ =	shalt  }
0x60: {  	_ =	shalt  }
0x61: {  	_ =	shalt  }
0x62: {  	_ =	shalt  }
0x63: {  	_ =	shalt  }
0x64: {  	_ =	shalt  }
0x65: {  	_ =	shalt  }
0x66: {  	_ =	shalt  }
0x67: {  	_ =	shalt  }
0x68: {  	_ =	shalt  }
0x69: {  	_ =	shalt  }
0x6a: {  	_ =	shalt  }
0x6b: {  	_ =	shalt  }
0x6c: {  	_ =	shalt  }
0x6d: {  	_ =	shalt  }
0x6e: {  	_ =	shalt  }
0x6f: {  	_ =	shalt  }
0x70: {  	_ =	shalt  }
0x71: {  	_ =	shalt  }
0x72: {  	_ =	shalt  }
0x73: {  	_ =	shalt  }
0x74: {  	_ =	shalt  }
0x75: {  	_ =	shalt  }
0x76: {  	_ =	shalt  }
0x77: {  	_ =	shalt  }
0x78: {  	_ =	shalt  }
0x79: {  	_ =	shalt  }
0x7a: {  	_ =	shalt  }
0x7b: {  	_ =	shalt  }
0x7c: {  	_ =	shalt  }
0x7d: {  	_ =	shalt  }
0x7e: {  	_ =	shalt  }
0x7f: {  	_ =	shalt  }
0x80: {  	_ =	shalt  }
0x81: {  	_ =	shalt  }
0x82: {  	_ =	shalt  }
0x83: {  	_ =	shalt  }
0x84: {  	_ =	shalt  }
0x85: {  	_ =	shalt  }
0x86: {  	_ =	shalt  }
0x87: {  	_ =	shalt  }
.Lfunc_end0:
.L_simem_size_0:
called_computation_lowered:
.L_overlay_start_0:
0x88: {  	s0 =	sld [smem:$0x3FD9]  }
0x89: {  	s1 =	sld [smem:$0x3FFE];
	_ =	sdelay $0x3  }
0x8a: {  	s0 =	sadd.s32 s1, s0  }
0x8b: {  	[smem:$0x3FC7] =	sst s0  }
0x8c: {  	_ = 	snop  }
0x8d: {  	s0 =	sld [smem:$0x3FD0];
	_ =	sdelay $0x2  }
0x8e: {  	s13 =	simm.s32 $0xA;
	s2 =	simm.s32 $0x10  }
0x8f: {  	[smem:s2], [sflag:s13] =	dma.local [hbm:s0], $0x1  }
0x90: {  	_ =	swait.eq [sflag:s13], $0x1  }
0x91: {  	[sflag:s13] =	ssyncset.done $0x0  }
0x92: {  	[sflag:s13] =	ssyncadd.s32 $0xFFFFFFFF  }
0x93: {  	s14 =	sld [smem:$0x10];
	(tm) =	ssettm $0x1  }
0x94: {  	s15 =	sld [smem:$0x3FFB];
	_ =	sdelay $0x3  }
0x95: {  	_ =	strace s15  }
0x96: {  	s1 =	sld [smem:$0x3FFC];
	_ =	sdelay $0x3  }
0x97: {  	_ =	strace s1  }
0x98: {  	s1 =	sld [smem:$0x3FFD];
	_ =	sdelay $0x3  }
0x99: {  	_ =	strace s1  }
0x9a: {  	_ =	strace $0x8FFFFFFF  }
0x9b: {  	s16 =	sld [smem:$0x3FDB];
	_ =	sdelay $0x1  }
0x9c: {  	s17 =	simm.s32 $_scs_section_size  }
0x9d: {  	s3 =	simm.s32 $_size__tile_overlayer_lowered;
	s4 =	simm.s32 $_tile_overlayer_lowered  }
0x9e: {  	s20 =	simm.s32 $0x1BFF;
	s19 =	sshll.u32 s4, $0x1;
	s1 =	sadd.s32 s17, s16  }
0x9f: {  	s5 =	simm.s32 $0x0;
	s18 =	sshll.u32 s3, $0x1;
	s3 =	sadd.s32 s19, s1  }
0xa0: {  	[timem:s5], [sflag:s20] =	dma.local [hbm:s3], s18  }
0xa1: {  	_ =	swait.ge [sflag:s20], s18  }
0xa2: {  	s2 =	ssub.s32 $0x0, s18;
	[sflag:s20] =	ssyncset.done $0x0  }
0xa3: {  	[sflag:s20] =	ssyncadd.s32 s2;
	_ =	sdelay $0x1  }
0xa4: {  	s21 =	simm.s32 $0x1B8B  }
0xa5: {  	_ =	swait.ge [sflag:s21], $0x1  }
0xa6: {  	[sflag:s21] =	ssyncset.done $0x0  }
0xa7: {  	s23 =	simm.s32 $0x1B8E;
	s22 =	sld [smem:$0x3FFE];
	[sflag:s21] =	ssyncadd.s32 $0xFFFFFFFF  }
0xa8: {  	s24 =	simm.s32 $execute0_lowered;
	[smem:$0x3FD2] =	sst s23  }
0xa9: {  	s3 =	sshll.u32 s24, $0x1;
	_ =	strace $0x80000046;
	[dreg:$0x1] =	wrdreg $0xFFFFFFFF  }
0xaa: {  	s25 =	simm.s32 $_size_execute0_lowered;
	s1 =	sadd.s32 s1, s3;
	[dreg:$0x0] =	wrdreg $0x0  }
0xab: {  	s3 =	sshll.u32 s25, $0x1;
	[dreg:$0x2] =	wrdreg s1  }
0xac: {  	[dreg:$0x3] =	wrdreg s3  }
0xad: {  	[dreg:$0x4] =	wrdreg $0xC0  }
0xae: {  	_ =	task [dreg:s5], $0x5FFFF  }
0xaf: {  	[dreg:$0x1] =	wrdreg $0xFFFFFFFF  }
0xb0: {  	[dreg:$0x0] =	wrdreg $0x60  }
0xb1: {  	[dreg:$0x2] =	wrdreg s14  }
0xb2: {  	[dreg:$0x3] =	wrdreg s22  }
0xb3: {  	[dreg:$0x4] =	wrdreg $0x9  }
0xb4: {  	_ =	task.clear_ibuf [dreg:s5], $0x5FFFF;
	_ =	strace $0x90000046  }
0xb5: {  	s26 =	simm.s32 $0x9;
	_ =	strace $0x80000048  }
0xb6: {  	_ =	swait.ge [sflag:s26], $0x1  }
0xb7: {  	[sflag:s26] =	ssyncadd.s32 $0xFFFFFFFF  }
0xb8: {  	_ =	strace $0x90000048  }
0xb9: {  	_ =	sfence  }
0xba: {  	s28 =	sld [smem:$0x0];
	_ =	sdelay $0x1  }
0xbb: {  	s29 =	srdreg.scid  }
0xbc: {  	s30 =	sshll.u32 s29, $0xD;
	s31 =	sshrl.u32 s29, $0x2  }
0xbd: {  	s2 =	sand.u32 $0x4000, s30;
	s1 =	sand.u32 $0x1, s29;
	s0 =	sadd.s32 s31, s28  }
0xbe: {  	s1 =	sor.u32 s2, s1;
	s0 =	sshll.u32 s0, $0x11  }
0xbf: {  	s0 =	sor.u32 s0, s1  }
0xc0: {  	s0 =	sadd.s32 $0x8F2B, s0  }
0xc1: {  	[sflag:s0] =	ssyncadd.remote.s32 $0x1  }
0xc2: {  	_ =	sfence.sel $0xFFFF  }
0xc3: {  	[dreg:$0x0] =	wrdreg $0xFFFFFFFF;
	(pc) =	sbr.abs _section_cstart, $3  }
0xc4: {  	[dreg:$0x1] =	wrdreg $0xFFFFFFFF  }
0xc5: {  	_ =	task.clear_ibuf [dreg:s5], $0x2FFFF;
	_ =	strace $0x9FFFFFFF  }
0xc6: {  	(tm) =	ssettm $0x7FFFFFFF  }
0xc7: {  	_ =	shalt  }
tec
execute0_lowered:
.L_overlay_start_1:
0x0: {  	(tag) =	ssettag $0x1  }
0x1: {  	s1 =	rddreg [dreg:$0x0]  }
0x2: {  	s7 =	rddreg [dreg:$0x1]  }
0x3: {  	s0 =	rddreg [dreg:$0x2]  }
0x4: {  	s3 =	stileid.u32;
	_ =	strace $0x80000047;
	s4 =	simm.s32 $0x3E  }
0x5: {  	p0 =	sne.s32 s3, $0x0;
	[sflag:s4] =	ssyncpa.u1 $0x0  }
0x6: {  	s30 =	smin.u32 s3, $0x4;
	s2 =	simm.s32 @!p0 $0x1C3E;
	s5 =	simm.s32 @!p0 $0x0  }
0x7: {  	[spmem:s5], [sflag:s2] =	dma.local @!p0 [hbm:s1], $0x80  }
0x8: {  	s2 =	sadd.s32 s3, s30  }
0x9: {  	p1 =	slt.u32 s3, $0x4;
	s3 =	simm.s32 $0x3E80;
	s2 =	smul.u32 $0x1F40, s2  }
0xa: {  	s3 =	simm.s32 @!p1 $0x1F40  }
0xb: {  	s3 =	sadd.s32 s3, s2  }
0xc: {  	s3 =	smin.u32 s3, $0x27100  }
0xd: {  	s8 =	ssub.s32 s3, s2  }
0xe: {  	p1 =	sgt.s32 s8, $0x0  }
0xf: {  	s8 =	simm.s32 @!p1 $0x0  }
0x10: {  	s5 =	simm.s32 @!p0 $0x3E;
	s31 =	smulhi.u32 $0x10624DD3, s8  }
0x11: {  	_ =	swait.ge @!p0 [sflag:s5], $0x80  }
0x12: {  	s6 =	simm.s32 $0x2;
	[sflag:s5] =	ssyncset.done @!p0 $0x0;
	s9 =	sshrl.u32 s31, $0x9  }
0x13: {  	s11 =	simm.s32 $0x0;
	[sflag:s5] =	ssyncadd.s32 @!p0 $0xFFFFFF80;
	s10 =	smul.u32 $0x1F40, s9  }
.Ltmp0:
0x14: {  	s5 =	sadd.s32 $0x23200, s7;
	[bflag:$0x0] =	sbarrier.arrive $0xFFFF;
	(pc) =	sbr.rel .LBB2_1-.Ltmp0, $4  }
0x15: {  	s7 =	sadd.s32 $0x28200, s7;
	[sflag:s4] =	ssyncpa.u1 $0x1;
	s4 =	simm.s32 $0x1  }
0x16: {  	[sflag:s4] =	ssyncpa.u1 $0x0;
	p1 =	sne.s32 s8, s10;
	s8 =	simm.s32 $0x1  }
0x17: {  	(ifvalue) =	ssetifvalue $0x400;
	[sflag:s6] =	ssyncpa.u1 $0x0;
	s8 =	simm.s32 @!p1 $0x0  }
0x18: {  	vm0 =	vmmov $0xffff;
	s10 =	smov.u32 s2;
	s8 =	sadd.s32 s8, s9;
	s9 =	simm.s32 $0x0  }
.LBB2_5:
0x19: {  	p2 =	sne.s32 s11, s8  }
.Ltmp1:
0x1a: {  	_ = 	snop;
	(pc) =	sbr.rel @!p2 .LBB2_6-.Ltmp1, $4  }
0x1b: {  	_ = 	snop  }
0x1c: {  	s12 =	sadd.s32 $0x1F40, s10  }
0x1d: {  	s10 =	smov.u32 s2;
	s13 =	sadd.s32 $0x1, s11;
	p1 =	slt.s32 s12, s3  }
0x1e: {  	s11 =	smov.u32 s13;
	s10 =	smov.u32 @p1 s12  }
.LBB2_1:
0x1f: {  	p1 =	sge.u32 s11, s8  }
0x20: {  	s12 =	sxor.u32 @!p1 $0xFFFFFFFF, s11  }
0x21: {  	s12 =	sand.u32 @!p1 $0x1, s12  }
0x22: {  	s12 =	smul.u32 @!p1 $0x1F40, s12  }
0x23: {  	s13 =	sshrl.u32 @!p1 s10, $0x3  }
0x24: {  	s16 =	sand.u32 @!p1 $0x7, s10;
	s14 =	sadd.s32 @!p1 s5, s13;
	s15 =	sadd.s32 @!p1 $0x40, s12  }
0x25: {  	[tilespmem:s15], [sflag:$0x2] =	stream.linear.gather @!p1 [hbm4b:s14+s16], $0x1F40, $0x38;
	[tilespmem:$0x7D40] =	vst v63  }
0x26: {  	s13 =	sadd.s32 @!p1 s7, s13;
	s12 =	sadd.s32 @!p1 $0x3EC0, s12  }
0x27: {  	[tilespmem:s12], [sflag:$0x2] =	stream.linear.gather @!p1 [hbm4b:s13+s16], $0x1F40, $0x38;
	[tilespmem:$0x7D40] =	vst v63  }
0x28: {  	p1 =	seq.s32 s11, $0x0  }
.Ltmp2:
0x29: {  	_ = 	snop;
	(pc) =	sbr.rel @p1 .LBB2_5-.Ltmp2, $1  }
0x2a: {  	_ =	sdelay $0x3  }
0x2b: {  	s12 =	sand.u32 $0x1, s11  }
0x2c: {  	_ =	swait.ge [sflag:s6], $0x3E80;
	p1 =	seq.s32 s12, $0x1;
	s12 =	simm.s32 $0x1F40  }
0x2d: {  	[sflag:s6] =	ssyncset.done $0x0;
	s12 =	simm.s32 @!p1 $0x0  }
0x2e: {  	[sflag:s6] =	ssyncadd.s32 $0xFFFFC180;
	s14 =	sadd.s32 $0x40, s12  }
0x2f: {  	v0 =	vld.msk [tilespmem:s14+$0x0 ss:$0x1], $0xffff;
	_ =	sdelay $0x4  }
0x30: {  	v0 =	vmin.u32 v0, $0x400;
	_ =	sdelay $0x3  }
0x31: {  	s13 =	simm.s32 $0x0;
	s12 =	sadd.s32 $0x3EC0, s12;
	s14 =	sadd.s32 $0x10, s14  }
0x32: {  	[spmem:s9] =	stream.indirect_vreg.scatter.add.s32 [tilespmem:s12], [sflag:$0x1], $0x1, v0, vm0, $0x4038;
	[tilespmem:$0x7D40] =	vst v63  }
.LBB2_3:
0x33: {  	v0 =	vld.msk [tilespmem:s14+$0x0 ss:$0x1], $0xffff;
	s13 =	sadd.s32 $0x10, s13  }
0x34: {  	p1 =	slt.u32 s13, $0x1F30;
	_ =	sdelay $0x4  }
0x35: {  	v0 =	vmin.u32 v0, $0x400  }
.Ltmp3:
0x36: {  	(pc) =	sbr.rel @p1 .LBB2_3-.Ltmp3, $3  }
0x37: {  	_ =	sdelay $0x1  }
0x38: {  	s14 =	sadd.s32 $0x10, s14;
	s12 =	sadd.s32 $0x10, s12  }
0x39: {  	[spmem:s9] =	stream.indirect_vreg.scatter.add.s32 [tilespmem:s12], [sflag:$0x1], $0x1, v0, vm0, $0x4038;
	[tilespmem:$0x7D40] =	vst v63  }
.Ltmp4:
0x3a: {  	(pc) =	sbr.rel .LBB2_5-.Ltmp4, $4  }
0x3b: {  	_ = 	snop  }
0x3c: {  	_ =	swait.ge [sflag:s4], $0x1F40  }
0x3d: {  	[sflag:s4] =	ssyncset.done $0x0  }
0x3e: {  	[sflag:s4] =	ssyncadd.s32 $0xFFFFE0C0  }
.LBB2_6:
0x3f: {  	_ =	sfence.sel $0x180000  }
0x40: {  	s2 =	simm.s32 $0x2;
	[bflag:$0x0] =	sbarrier.arrive $0xFFFF  }
0x41: {  	s30 =	simm.s32 $0x1;
	[sflag:s2] =	ssyncpa.u1 $0x1  }
0x42: {  	[sflag:s30] =	ssyncpa.u1 $0x1  }
0x43: {  	_ =	sfence.stream.spmem  }
0x44: {  	s31 =	simm.s32 $0x3D;
	[bflag:$0x0] =	sbarrier.arrive $0xFFFF  }
0x45: {  	s2 =	simm.s32 @p0 $0x3D;
	[sflag:s31] =	ssyncpa.u1 $0x0  }
0x46: {  	[sflag:s2] =	ssyncpa.u1 @p0 $0x1  }
0x47: {  	[bflag:$0x0] =	sbarrier.arrive @p0 $0xFFFF  }
0x48: {  	_ =	strace @p0 $0x90000047  }
0x49: {  	s3 =	simm.s32 @!p0 $0x1C3D;
	s2 =	simm.s32 @!p0 $0x0;
	[bflag:$0x2] =	sbarrier.arrive @p0 $0xFFFF  }
0x4a: {  	[hbm:s1], [sflag:s3] =	dma.local @!p0 [spmem:s2], $0x80  }
0x4b: {  	s1 =	simm.s32 @!p0 $0x3D  }
0x4c: {  	_ =	swait.ge @!p0 [sflag:s1], $0x80  }
0x4d: {  	[sflag:s1] =	ssyncset.done @!p0 $0x0  }
0x4e: {  	[sflag:s1] =	ssyncadd.s32 @!p0 $0xFFFFFF80  }
0x4f: {  	[sflag:s1] =	ssyncpa.u1 @!p0 $0x1  }
0x50: {  	[bflag:$0x0] =	sbarrier.arrive @!p0 $0xFFFF  }
0x51: {  	_ =	strace @!p0 $0x90000047  }
0x52: {  	s0 =	sadd.s32 @!p0 $0x100000, s0;
	[bflag:$0x2] =	sbarrier.arrive @!p0 $0xFFFF  }
0x53: {  	[sflag:s0] =	ssyncadd.tile.s32 @!p0 $0x1;
	_ =	shalt  }
.Lfunc_end2:
_tile_overlayer_lowered:
.L_overlay_start_2:
0x54: {  	(tag) =	ssettag $0x2  }
0x55: {  	s0 =	rddreg [dreg:$0x0];
	s2 =	stileid.u32  }
0x56: {  	s1 =	rddreg [dreg:$0x1];
	p0 =	sne.s32 s2, $0x0  }
0x57: {  	s3 =	rddreg [dreg:$0x2];
	[bflag:$0x3] =	sbarrier.arrive $0xFFFF;
	s2 =	simm.s32 @!p0 $0x1C01  }
0x58: {  	[timem:s3], [sflag:s2] =	dma.local @!p0 [hbm:s0], s1  }
0x59: {  	s0 =	simm.s32 @!p0 $0x1  }
0x5a: {  	_ =	swait.ge @!p0 [sflag:s0], s1  }
0x5b: {  	s1 =	ssub.s32 @!p0 $0x0, s1;
	[sflag:s0] =	ssyncset.done @!p0 $0x0  }
0x5c: {  	[sflag:s0] =	ssyncadd.s32 @!p0 s1  }
0x5d: {  	[bflag:$0x3] =	sbarrier.arrive $0xFFFF  }
0x5e: {  	_ =	shalt  }

</sc_bundles>
